<compile_context>
chip_gen: v7x
topology: tpu7x:2x2x1
jax: 0.10.2.dev20260603
libtpu: 0.0.44.dev20260713+nightly
codegen_flags: <defaults>
</compile_context>

<pallas_src>
import functools

import jax
import jax.numpy as jnp
from jax import lax
from jax.experimental import pallas as pl
from jax.experimental.pallas import tpu as pltpu
from jax.experimental.pallas import tpu_sc as plsc

N_NODES = 10000
N_EDGES = 320000
F = 128
EA = 16

NW = 32
CHUNK = 128
CPT = 80
EDGES_PAD = NW * CPT * CHUNK
TILE_EDGES = CPT * CHUNK
NODES_PAD = 10240
ACC_ROWS = 104


def _t1_body(x_ref, wa_ref, wb_ref, a_ref, b_ref):
    xv = x_ref[...]
    dn = (((1,), (1,)), ((), ()))
    a_ref[...] = lax.dot_general(xv, wa_ref[...], dn,
                                 preferred_element_type=jnp.float32)
    b_ref[...] = lax.dot_general(xv, wb_ref[...], dn,
                                 preferred_element_type=jnp.float32)


def _t2_body(ea_ref, wc_ref, b1_ref, gi_ref, c_ref, deg_ref):
    dn = (((1,), (1,)), ((), ()))
    c_ref[...] = lax.dot_general(ea_ref[...], wc_ref[...], dn,
                                 preferred_element_type=jnp.float32) + b1_ref[...]
    gi = gi_ref[...].astype(jnp.float32)
    g = jnp.floor((gi + 0.5) * 0.01).astype(jnp.int32)
    oh = (lax.broadcasted_iota(jnp.int32, (128, 8, 128), 0)
          == g[None, :, :]).astype(jnp.float32)
    part = jnp.sum(oh, axis=(1, 2)).reshape(128, 1)

    @pl.when(pl.program_id(0) == 0)
    def _():
        deg_ref[...] = part

    @pl.when(pl.program_id(0) != 0)
    def _():
        deg_ref[...] = deg_ref[...] + part


def _t4_body(acc_ref, deg_ref, x3_ref, w2_ref, b2_ref, l1a_ref, l1b_ref,
             l1bias_ref, gvw_ref, gvb_ref, out_ref):
    acc = jnp.sum(acc_ref[...], axis=0)
    rsum = acc[:100, :]
    deg = deg_ref[...][:100, :]
    dn = (((1,), (1,)), ((), ()))
    g = lax.dot_general(rsum, w2_ref[...], dn,
                        preferred_element_type=jnp.float32) + deg * b2_ref[...]
    xs = jnp.sum(x3_ref[...], axis=1)
    v = lax.dot_general(xs, l1a_ref[...], dn, preferred_element_type=jnp.float32)
    v = v + lax.dot_general(g, l1b_ref[...], dn, preferred_element_type=jnp.float32)
    v = jnp.maximum(v + l1bias_ref[...], 0.0)
    out_ref[...] = lax.dot_general(v, gvw_ref[...], dn,
                                   preferred_element_type=jnp.float32) + gvb_ref[0, 0]


def _sc_edge_body(a_hbm, b_hbm, c_hbm, ii_hbm, jj_hbm, out_hbm,
                  i0, j0, i1, j1, g0, g1, a0, b0, c0, a1, b1, c1, zbuf,
                  acc_sh, sa0, sb0, sc0, sa1, sb1, sc1, si0, sj0, si1, sj1,
                  ss0, ss1):
    cid = lax.axis_index("c")
    tid = lax.axis_index("s")
    wid = cid * 16 + tid
    base_w = wid * TILE_EDGES

    zero16 = jnp.zeros((16,), jnp.float32)

    @pl.when(tid == 0)
    def _():
        def zrow(r, carry):
            for k in range(8):
                zbuf[r, pl.ds(k * 16, 16)] = zero16
            return carry
        lax.fori_loop(0, ACC_ROWS, zrow, 0)
        pltpu.sync_copy(zbuf, acc_sh)
    plsc.subcore_barrier()

    def launch_idx(c, ib, jb, si, sj):
        base = base_w + c * CHUNK
        pltpu.async_copy(ii_hbm.at[pl.ds(base, CHUNK)], ib, si)
        pltpu.async_copy(jj_hbm.at[pl.ds(base, CHUNK)], jb, sj)

    def wait_idx(c, ib, jb, si, sj):
        base = base_w + c * CHUNK
        pltpu.make_async_copy(ii_hbm.at[pl.ds(base, CHUNK)], ib, si).wait()
        pltpu.make_async_copy(jj_hbm.at[pl.ds(base, CHUNK)], jb, sj).wait()

    def launch_gather(c, ib, jb, ba, bb, bc, sa, sb, sc):
        base = base_w + c * CHUNK
        pltpu.async_copy(a_hbm.at[ib], ba, sa)
        pltpu.async_copy(b_hbm.at[jb], bb, sb)
        pltpu.async_copy(c_hbm.at[pl.ds(base, CHUNK)], bc, sc)

    def wait_gather(c, ib, jb, ba, bb, bc, sa, sb, sc):
        base = base_w + c * CHUNK
        pltpu.make_async_copy(a_hbm.at[ib], ba, sa).wait()
        pltpu.make_async_copy(b_hbm.at[jb], bb, sb).wait()
        pltpu.make_async_copy(c_hbm.at[pl.ds(base, CHUNK)], bc, sc).wait()

    def extract_groups(ib, gb):
        def g_body(q, qcarry):
            s = pl.ds(q * 16, 16)
            gb[s] = lax.shift_right_logical(ib[s] * 5243, 19)
            return qcarry
        lax.fori_loop(0, CHUNK // 16, g_body, 0)

    def compute_m(ba, bb, bc):
        def q_body(e, qcarry):
            for k in range(8):
                s = pl.ds(k * 16, 16)
                v = ba[e, s] + bb[e, s] + bc[e, s]
                ba[e, s] = jnp.maximum(v, 0.0)
            return qcarry
        lax.fori_loop(0, CHUNK, q_body, 0)

    def step(c, cur, nxt):
        (ci, cj, cg, ca, cb, cc, csa, csb, csc, csi, csj, css) = cur
        (ni, nj, ng, na, nb, nc, nsa, nsb, nsc, nsi, nsj, nss) = nxt

        @pl.when(c + 1 < CPT)
        def _():
            wait_idx(c + 1, ni, nj, nsi, nsj)

            @pl.when(c >= 1)
            def _():
                pltpu.make_async_copy(na, acc_sh.at[ng], nss).wait()
            launch_gather(c + 1, ni, nj, na, nb, nc, nsa, nsb, nsc)

        extract_groups(ci, cg)
        wait_gather(c, ci, cj, ca, cb, cc, csa, csb, csc)

        @pl.when(c + 2 < CPT)
        def _():
            launch_idx(c + 2, ci, cj, csi, csj)

        compute_m(ca, cb, cc)
        pltpu.async_copy(ca, acc_sh.at[cg], css, add=True)

    p0 = (i0, j0, g0, a0, b0, c0, sa0, sb0, sc0, si0, sj0, ss0)
    p1 = (i1, j1, g1, a1, b1, c1, sa1, sb1, sc1, si1, sj1, ss1)

    pltpu.sync_copy(ii_hbm.at[pl.ds(base_w, CHUNK)], i0)
    pltpu.sync_copy(jj_hbm.at[pl.ds(base_w, CHUNK)], j0)
    launch_gather(0, i0, j0, a0, b0, c0, sa0, sb0, sc0)
    launch_idx(1, i1, j1, si1, sj1)

    def pair_body(k, carry):
        step(2 * k, p0, p1)
        step(2 * k + 1, p1, p0)
        return carry
    lax.fori_loop(0, CPT // 2, pair_body, 0)

    pltpu.make_async_copy(a0, acc_sh.at[g0], ss0).wait()
    pltpu.make_async_copy(a1, acc_sh.at[g1], ss1).wait()

    plsc.subcore_barrier()

    @pl.when(tid == 0)
    def _():
        pltpu.sync_copy(acc_sh, out_hbm.at[cid])


@functools.lru_cache(maxsize=1)
def _sc_edge_kernel():
    return functools.partial(
        pl.kernel,
        out_type=jax.ShapeDtypeStruct((2, ACC_ROWS, F), jnp.float32),
        mesh=plsc.VectorSubcoreMesh(core_axis_name="c", subcore_axis_name="s"),
        scratch_types=[
            pltpu.VMEM((CHUNK,), jnp.int32),
            pltpu.VMEM((CHUNK,), jnp.int32),
            pltpu.VMEM((CHUNK,), jnp.int32),
            pltpu.VMEM((CHUNK,), jnp.int32),
            pltpu.VMEM((CHUNK,), jnp.int32),
            pltpu.VMEM((CHUNK,), jnp.int32),
            pltpu.VMEM((CHUNK, F), jnp.float32),
            pltpu.VMEM((CHUNK, F), jnp.float32),
            pltpu.VMEM((CHUNK, F), jnp.float32),
            pltpu.VMEM((CHUNK, F), jnp.float32),
            pltpu.VMEM((CHUNK, F), jnp.float32),
            pltpu.VMEM((CHUNK, F), jnp.float32),
            pltpu.VMEM((ACC_ROWS, F), jnp.float32),
            pltpu.VMEM_SHARED((ACC_ROWS, F), jnp.float32),
            pltpu.SemaphoreType.DMA,
            pltpu.SemaphoreType.DMA,
            pltpu.SemaphoreType.DMA,
            pltpu.SemaphoreType.DMA,
            pltpu.SemaphoreType.DMA,
            pltpu.SemaphoreType.DMA,
            pltpu.SemaphoreType.DMA,
            pltpu.SemaphoreType.DMA,
            pltpu.SemaphoreType.DMA,
            pltpu.SemaphoreType.DMA,
            pltpu.SemaphoreType.DMA,
            pltpu.SemaphoreType.DMA,
        ],
    )(_sc_edge_body)


@jax.jit
def kernel(x, edge_index, edge_attr, W1, b1, W2, b2, lin1_W, lin1_b, gv_W, gv_b):
    f32 = jnp.float32
    idx_i = edge_index[0].astype(jnp.int32)
    idx_j = edge_index[1].astype(jnp.int32)
    npad = EDGES_PAD - N_EDGES
    ii = jnp.concatenate([idx_i, jnp.full((npad,), N_NODES, jnp.int32)])
    jj = jnp.concatenate([idx_j, jnp.zeros((npad,), jnp.int32)])
    gi2d = ii.reshape(EDGES_PAD // 128, 128)
    bf16 = jnp.bfloat16
    ea_pad = jnp.concatenate([edge_attr, jnp.zeros((npad, EA), f32)]).astype(bf16)
    x_pad = jnp.concatenate([x, jnp.zeros((NODES_PAD - N_NODES, F), f32)]).astype(bf16)

    W1a = W1[:, :F].astype(bf16)
    W1b = W1[:, F:2 * F].astype(bf16)
    W1c = W1[:, 2 * F:].astype(bf16)
    b1r = b1.reshape(1, F)

    a_tab, b_tab = pl.pallas_call(
        _t1_body,
        grid=(10,),
        in_specs=[
            pl.BlockSpec((1024, F), lambda i: (i, 0)),
            pl.BlockSpec((F, F), lambda i: (0, 0)),
            pl.BlockSpec((F, F), lambda i: (0, 0)),
        ],
        out_specs=[
            pl.BlockSpec((1024, F), lambda i: (i, 0)),
            pl.BlockSpec((1024, F), lambda i: (i, 0)),
        ],
        out_shape=[
            jax.ShapeDtypeStruct((NODES_PAD, F), f32),
            jax.ShapeDtypeStruct((NODES_PAD, F), f32),
        ],
    )(x_pad, W1a, W1b)

    c_tab, deg = pl.pallas_call(
        _t2_body,
        grid=(EDGES_PAD // 1024,),
        in_specs=[
            pl.BlockSpec((1024, EA), lambda i: (i, 0)),
            pl.BlockSpec((F, EA), lambda i: (0, 0)),
            pl.BlockSpec((1, F), lambda i: (0, 0)),
            pl.BlockSpec((8, 128), lambda i: (i, 0)),
        ],
        out_specs=[
            pl.BlockSpec((1024, F), lambda i: (i, 0)),
            pl.BlockSpec((128, 1), lambda i: (0, 0)),
        ],
        out_shape=[
            jax.ShapeDtypeStruct((EDGES_PAD, F), f32),
            jax.ShapeDtypeStruct((128, 1), f32),
        ],
    )(ea_pad, W1c, b1r, gi2d)

    acc32 = _sc_edge_kernel()(a_tab, b_tab, c_tab, ii, jj)

    x3 = x.reshape(100, 100, F)
    out = pl.pallas_call(
        _t4_body,
        in_specs=[pl.BlockSpec(memory_space=pltpu.MemorySpace.VMEM)] * 9
        + [pl.BlockSpec(memory_space=pltpu.MemorySpace.SMEM)],
        out_specs=pl.BlockSpec(memory_space=pltpu.MemorySpace.VMEM),
        out_shape=jax.ShapeDtypeStruct((100, 8), f32),
    )(acc32, deg, x3, W2.astype(bf16).astype(f32), b2.reshape(1, F),
      lin1_W[:, :F], lin1_W[:, F:],
      lin1_b.reshape(1, F), jnp.concatenate([gv_W, jnp.zeros((7, F), f32)]),
      gv_b.reshape(1, 1))

    return out[:, 0]

# --- scband reference (transcript-rebuilt; emitter-appended) ---
"""Pipeline reference for scband-vf-1752346657378 (READ-ONLY COPY).

The authoritative reference and input builder live on the scoring server;
editing this copy changes nothing except your own understanding.
"""

import jax, jax.numpy as jnp
import numpy as np

N_NODES = 10000
N_EDGES = 320000
NODE_SIZE = 128
EDGE_SIZE = 16
HIDDEN = 128
OUT_CH = 1
NNODES = 100


def setup_inputs(seed: int = 0) -> dict:
    key = jax.random.key(seed)
    ks = jax.random.split(key, 12)
    x = jax.random.normal(ks[0], (N_NODES, NODE_SIZE), dtype=jnp.float32)
    edge_index = jax.random.randint(ks[1], (2, N_EDGES), 0, N_NODES, dtype=jnp.int64)
    edge_attr = jax.random.normal(ks[2], (N_EDGES, EDGE_SIZE), dtype=jnp.float32)
    in1 = 2 * NODE_SIZE + EDGE_SIZE
    W1 = jax.random.normal(ks[3], (HIDDEN, in1), dtype=jnp.float32) * (1.0 / np.sqrt(in1))
    b1 = jnp.zeros((HIDDEN,), dtype=jnp.float32)
    W2 = jax.random.normal(ks[4], (HIDDEN, HIDDEN), dtype=jnp.float32) * (1.0 / np.sqrt(HIDDEN))
    b2 = jnp.zeros((HIDDEN,), dtype=jnp.float32)
    in2 = NODE_SIZE + HIDDEN
    lin1_W = jax.random.normal(ks[5], (HIDDEN, in2), dtype=jnp.float32) * (1.0 / np.sqrt(in2))
    lin1_b = jnp.zeros((HIDDEN,), dtype=jnp.float32)
    gv_W = jax.random.normal(ks[6], (OUT_CH, HIDDEN), dtype=jnp.float32) * (1.0 / np.sqrt(HIDDEN))
    gv_b = jnp.zeros((OUT_CH,), dtype=jnp.float32)
    return {"x": x, "edge_index": edge_index, "edge_attr": edge_attr,
            "W1": W1, "b1": b1, "W2": W2, "b2": b2,
            "lin1_W": lin1_W, "lin1_b": lin1_b, "gv_W": gv_W, "gv_b": gv_b}


def reference(x, edge_index, edge_attr, W1, b1, W2, b2, lin1_W, lin1_b, gv_W, gv_b):
    # EdgeConv with flow='target_to_source': i = edge_index[0], j = edge_index[1];
    # messages aggregated (sum) at index i = edge_index[0].
    idx_i = edge_index[0]
    idx_j = edge_index[1]
    x_i = jnp.take(x, idx_i, axis=0)
    x_j = jnp.take(x, idx_j, axis=0)
    tmp = jnp.concatenate([x_i, x_j, edge_attr], axis=1)
    h = jax.nn.relu(tmp @ W1.T + b1) @ W2.T + b2
    agg = jax.ops.segment_sum(h, idx_i, num_segments=N_NODES)
    x_pp = jnp.concatenate([x, agg], axis=1)
    x_pp = x_pp.reshape(-1, NNODES, NODE_SIZE + HIDDEN)
    v = jnp.sum(x_pp, axis=1)
    v = jax.nn.relu(v @ lin1_W.T + lin1_b)
    v = v @ gv_W.T + gv_b
    return jnp.squeeze(v, axis=-1)

if __name__ == "__main__":
    import jax
    _d = setup_inputs()
    print(jax.jit(kernel)(*tuple(_d.values())))

</pallas_src>

<mosaic_0001>
#map = affine_map<(d0, d1) -> (0, 0)>
#map1 = affine_map<(d0, d1) -> (0)>
#map2 = affine_map<(d0, d1) -> (0, 0, 0)>
module attributes {stable_mosaic.version = 14 : i64} {
  func.func @_sc_edge_body(%arg0: i32, %arg1: i32, %arg2: memref<10240x128xf32, #tpu.memory_space<hbm>>, %arg3: memref<10240x128xf32, #tpu.memory_space<hbm>>, %arg4: memref<327680x128xf32, #tpu.memory_space<hbm>>, %arg5: memref<327680xi32, #tpu.memory_space<hbm>>, %arg6: memref<327680xi32, #tpu.memory_space<hbm>>, %arg7: memref<2x104x128xf32, #tpu.memory_space<hbm>>, %arg8: memref<128xi32, #tpu.memory_space<vmem>>, %arg9: memref<128xi32, #tpu.memory_space<vmem>>, %arg10: memref<128xi32, #tpu.memory_space<vmem>>, %arg11: memref<128xi32, #tpu.memory_space<vmem>>, %arg12: memref<128xi32, #tpu.memory_space<vmem>>, %arg13: memref<128xi32, #tpu.memory_space<vmem>>, %arg14: memref<128x128xf32, #tpu.memory_space<vmem>>, %arg15: memref<128x128xf32, #tpu.memory_space<vmem>>, %arg16: memref<128x128xf32, #tpu.memory_space<vmem>>, %arg17: memref<128x128xf32, #tpu.memory_space<vmem>>, %arg18: memref<128x128xf32, #tpu.memory_space<vmem>>, %arg19: memref<128x128xf32, #tpu.memory_space<vmem>>, %arg20: memref<104x128xf32, #tpu.memory_space<vmem>>, %arg21: memref<104x128xf32, #tpu.memory_space<vmem_shared>>, %arg22: memref<!tpu.dma_semaphore, #tpu.memory_space<semaphore_mem>>, %arg23: memref<!tpu.dma_semaphore, #tpu.memory_space<semaphore_mem>>, %arg24: memref<!tpu.dma_semaphore, #tpu.memory_space<semaphore_mem>>, %arg25: memref<!tpu.dma_semaphore, #tpu.memory_space<semaphore_mem>>, %arg26: memref<!tpu.dma_semaphore, #tpu.memory_space<semaphore_mem>>, %arg27: memref<!tpu.dma_semaphore, #tpu.memory_space<semaphore_mem>>, %arg28: memref<!tpu.dma_semaphore, #tpu.memory_space<semaphore_mem>>, %arg29: memref<!tpu.dma_semaphore, #tpu.memory_space<semaphore_mem>>, %arg30: memref<!tpu.dma_semaphore, #tpu.memory_space<semaphore_mem>>, %arg31: memref<!tpu.dma_semaphore, #tpu.memory_space<semaphore_mem>>, %arg32: memref<!tpu.dma_semaphore, #tpu.memory_space<semaphore_mem>>, %arg33: memref<!tpu.dma_semaphore, #tpu.memory_space<semaphore_mem>>) attributes {dimension_semantics = [#tpu.dimension_semantics<core_parallel>, #tpu.dimension_semantics<subcore_parallel>], iteration_bounds = array<i64: 2, 16>, scalar_prefetch = 0 : i64, scratch_operands = 26 : i64, tpu.core_type = #tpu.core_type<sc_vector_subcore>, window_params = [{transform_indices = #map}, {transform_indices = #map}, {transform_indices = #map}, {transform_indices = #map1}, {transform_indices = #map1}, {transform_indices = #map2}]} {
    %mul3A = arith.constant 16 : i32
    %mul3A_0 = arith.muli %arg0, %mul3A : i32
    %add3A = arith.addi %mul3A_0, %arg1 : i32
    %mul3A_1 = arith.constant 10240 : i32
    %mul3A_2 = arith.muli %add3A, %mul3A_1 : i32
    %broadcast_in_dim3A = arith.constant 0.000000e+00 : f32
    %broadcast_in_dim3A_3 = vector.broadcast %broadcast_in_dim3A : f32 to vector<16xf32>
    %eq3A = arith.constant 0 : i32
    %eq3A_4 = arith.cmpi eq, %arg1, %eq3A : i32
    %convert_element_type3A = arith.extui %eq3A_4 : i1 to i32
    %cond3A = arith.constant 0 : i32
    %cond3A_5 = arith.cmpi ne, %convert_element_type3A, %cond3A : i32
    scf.if %cond3A_5 {
      %scan3A_39 = arith.constant 0 : i32
      %scan3A_40 = arith.constant 0 : i32
      %scan3A_41 = arith.constant 104 : i32
      %scan3A_42 = arith.addi %scan3A_40, %scan3A_41 : i32
      %scan3A_43 = arith.constant 1 : i32
      scf.for %scan3A_45 = %scan3A_40 to %scan3A_42 step %scan3A_43  : i32 {
        %swap3A = arith.index_cast %scan3A_45 : i32 to index
        %swap3A_46 = arith.constant 0 : index
        %swap3A_47 = tpu.vector_load %arg20[%swap3A, %swap3A_46] {strides = array<i32>} : memref<104x128xf32, #tpu.memory_space<vmem>>, vector<1x16xf32>,
        %swap3A_48 = vector.shape_cast %swap3A_47 : vector<1x16xf32> to vector<16xf32>
        %swap3A_49 = vector.shape_cast %broadcast_in_dim3A_3 : vector<16xf32> to vector<1x16xf32>
        tpu.vector_store %arg20[%swap3A, %swap3A_46], %swap3A_49 {strides = array<i32>} : memref<104x128xf32, #tpu.memory_space<vmem>>, vector<1x16xf32>,
        %swap3A_50 = arith.index_cast %scan3A_45 : i32 to index
        %swap3A_51 = arith.constant 16 : index
        %swap3A_52 = tpu.vector_load %arg20[%swap3A_50, %swap3A_51] {strides = array<i32>} : memref<104x128xf32, #tpu.memory_space<vmem>>, vector<1x16xf32>,
        %swap3A_53 = vector.shape_cast %swap3A_52 : vector<1x16xf32> to vector<16xf32>
        %swap3A_54 = vector.shape_cast %broadcast_in_dim3A_3 : vector<16xf32> to vector<1x16xf32>
        tpu.vector_store %arg20[%swap3A_50, %swap3A_51], %swap3A_54 {strides = array<i32>} : memref<104x128xf32, #tpu.memory_space<vmem>>, vector<1x16xf32>,
        %swap3A_55 = arith.index_cast %scan3A_45 : i32 to index
        %swap3A_56 = arith.constant 32 : index
        %swap3A_57 = tpu.vector_load %arg20[%swap3A_55, %swap3A_56] {strides = array<i32>} : memref<104x128xf32, #tpu.memory_space<vmem>>, vector<1x16xf32>,
        %swap3A_58 = vector.shape_cast %swap3A_57 : vector<1x16xf32> to vector<16xf32>
        %swap3A_59 = vector.shape_cast %broadcast_in_dim3A_3 : vector<16xf32> to vector<1x16xf32>
        tpu.vector_store %arg20[%swap3A_55, %swap3A_56], %swap3A_59 {strides = array<i32>} : memref<104x128xf32, #tpu.memory_space<vmem>>, vector<1x16xf32>,
        %swap3A_60 = arith.index_cast %scan3A_45 : i32 to index
        %swap3A_61 = arith.constant 48 : index
        %swap3A_62 = tpu.vector_load %arg20[%swap3A_60, %swap3A_61] {strides = array<i32>} : memref<104x128xf32, #tpu.memory_space<vmem>>, vector<1x16xf32>,
        %swap3A_63 = vector.shape_cast %swap3A_62 : vector<1x16xf32> to vector<16xf32>
        %swap3A_64 = vector.shape_cast %broadcast_in_dim3A_3 : vector<16xf32> to vector<1x16xf32>
        tpu.vector_store %arg20[%swap3A_60, %swap3A_61], %swap3A_64 {strides = array<i32>} : memref<104x128xf32, #tpu.memory_space<vmem>>, vector<1x16xf32>,
        %swap3A_65 = arith.index_cast %scan3A_45 : i32 to index
        %swap3A_66 = arith.constant 64 : index
        %swap3A_67 = tpu.vector_load %arg20[%swap3A_65, %swap3A_66] {strides = array<i32>} : memref<104x128xf32, #tpu.memory_space<vmem>>, vector<1x16xf32>,
        %swap3A_68 = vector.shape_cast %swap3A_67 : vector<1x16xf32> to vector<16xf32>
        %swap3A_69 = vector.shape_cast %broadcast_in_dim3A_3 : vector<16xf32> to vector<1x16xf32>
        tpu.vector_store %arg20[%swap3A_65, %swap3A_66], %swap3A_69 {strides = array<i32>} : memref<104x128xf32, #tpu.memory_space<vmem>>, vector<1x16xf32>,
        %swap3A_70 = arith.index_cast %scan3A_45 : i32 to index
        %swap3A_71 = arith.constant 80 : index
        %swap3A_72 = tpu.vector_load %arg20[%swap3A_70, %swap3A_71] {strides = array<i32>} : memref<104x128xf32, #tpu.memory_space<vmem>>, vector<1x16xf32>,
        %swap3A_73 = vector.shape_cast %swap3A_72 : vector<1x16xf32> to vector<16xf32>
        %swap3A_74 = vector.shape_cast %broadcast_in_dim3A_3 : vector<16xf32> to vector<1x16xf32>
        tpu.vector_store %arg20[%swap3A_70, %swap3A_71], %swap3A_74 {strides = array<i32>} : memref<104x128xf32, #tpu.memory_space<vmem>>, vector<1x16xf32>,
        %swap3A_75 = arith.index_cast %scan3A_45 : i32 to index
        %swap3A_76 = arith.constant 96 : index
        %swap3A_77 = tpu.vector_load %arg20[%swap3A_75, %swap3A_76] {strides = array<i32>} : memref<104x128xf32, #tpu.memory_space<vmem>>, vector<1x16xf32>,
        %swap3A_78 = vector.shape_cast %swap3A_77 : vector<1x16xf32> to vector<16xf32>
        %swap3A_79 = vector.shape_cast %broadcast_in_dim3A_3 : vector<16xf32> to vector<1x16xf32>
        tpu.vector_store %arg20[%swap3A_75, %swap3A_76], %swap3A_79 {strides = array<i32>} : memref<104x128xf32, #tpu.memory_space<vmem>>, vector<1x16xf32>,
        %swap3A_80 = arith.index_cast %scan3A_45 : i32 to index
        %swap3A_81 = arith.constant 112 : index
        %swap3A_82 = tpu.vector_load %arg20[%swap3A_80, %swap3A_81] {strides = array<i32>} : memref<104x128xf32, #tpu.memory_space<vmem>>, vector<1x16xf32>,
        %swap3A_83 = vector.shape_cast %swap3A_82 : vector<1x16xf32> to vector<16xf32>
        %swap3A_84 = vector.shape_cast %broadcast_in_dim3A_3 : vector<16xf32> to vector<1x16xf32>
        tpu.vector_store %arg20[%swap3A_80, %swap3A_81], %swap3A_84 {strides = array<i32>} : memref<104x128xf32, #tpu.memory_space<vmem>>, vector<1x16xf32>,
      }
      %scan3A_44 = arith.constant 104 : i32
      "tpu.region"() ({
        %run_scoped3A = tpu.sem_alloc : memref<!tpu.dma_semaphore, #tpu.memory_space<semaphore_mem>>
        tpu.enqueue_dma source(%arg20 : memref<104x128xf32, #tpu.memory_space<vmem>>) target(%arg21 : memref<104x128xf32, #tpu.memory_space<vmem_shared>>) target_semaphore(%run_scoped3A : memref<!tpu.dma_semaphore, #tpu.memory_space<semaphore_mem>>)
        tpu.wait_dma2 semaphore(%run_scoped3A : memref<!tpu.dma_semaphore, #tpu.memory_space<semaphore_mem>>) src(%arg20 : memref<104x128xf32, #tpu.memory_space<vmem>>) dst(%arg21 : memref<104x128xf32, #tpu.memory_space<vmem_shared>>)
        tpu.yield
      }) : () -> ()
    } else {
    }
    %barrier3A = arith.constant 0 : index
    tpu.barrier barrier_id(%barrier3A)
    "tpu.region"() ({
      %run_scoped3A = tpu.sem_alloc : memref<!tpu.dma_semaphore, #tpu.memory_space<semaphore_mem>>
      %dma_start3A_39 = tpu.memref_slice %arg5[%mul3A_2] : memref<327680xi32, #tpu.memory_space<hbm>> -> memref<128xi32, #tpu.memory_space<hbm>>
      %dma_start3A_40 = tpu.memref_slice %arg5[%mul3A_2] : memref<327680xi32, #tpu.memory_space<hbm>> -> memref<128xi32, #tpu.memory_space<hbm>>
      tpu.enqueue_dma source(%dma_start3A_40 : memref<128xi32, #tpu.memory_space<hbm>>) target(%arg8 : memref<128xi32, #tpu.memory_space<vmem>>) target_semaphore(%run_scoped3A : memref<!tpu.dma_semaphore, #tpu.memory_space<semaphore_mem>>)
      %dma_wait3A_41 = tpu.memref_slice %arg5[%mul3A_2] : memref<327680xi32, #tpu.memory_space<hbm>> -> memref<128xi32, #tpu.memory_space<hbm>>
      %dma_wait3A_42 = tpu.memref_slice %arg5[%mul3A_2] : memref<327680xi32, #tpu.memory_space<hbm>> -> memref<128xi32, #tpu.memory_space<hbm>>
      tpu.wait_dma2 semaphore(%run_scoped3A : memref<!tpu.dma_semaphore, #tpu.memory_space<semaphore_mem>>) src(%dma_wait3A_42 : memref<128xi32, #tpu.memory_space<hbm>>) dst(%arg8 : memref<128xi32, #tpu.memory_space<vmem>>)
      tpu.yield
    }) : () -> ()
    "tpu.region"() ({
      %run_scoped3A = tpu.sem_alloc : memref<!tpu.dma_semaphore, #tpu.memory_space<semaphore_mem>>
      %dma_start3A_39 = tpu.memref_slice %arg6[%mul3A_2] : memref<327680xi32, #tpu.memory_space<hbm>> -> memref<128xi32, #tpu.memory_space<hbm>>
      %dma_start3A_40 = tpu.memref_slice %arg6[%mul3A_2] : memref<327680xi32, #tpu.memory_space<hbm>> -> memref<128xi32, #tpu.memory_space<hbm>>
      tpu.enqueue_dma source(%dma_start3A_40 : memref<128xi32, #tpu.memory_space<hbm>>) target(%arg9 : memref<128xi32, #tpu.memory_space<vmem>>) target_semaphore(%run_scoped3A : memref<!tpu.dma_semaphore, #tpu.memory_space<semaphore_mem>>)
      %dma_wait3A_41 = tpu.memref_slice %arg6[%mul3A_2] : memref<327680xi32, #tpu.memory_space<hbm>> -> memref<128xi32, #tpu.memory_space<hbm>>
      %dma_wait3A_42 = tpu.memref_slice %arg6[%mul3A_2] : memref<327680xi32, #tpu.memory_space<hbm>> -> memref<128xi32, #tpu.memory_space<hbm>>
      tpu.wait_dma2 semaphore(%run_scoped3A : memref<!tpu.dma_semaphore, #tpu.memory_space<semaphore_mem>>) src(%dma_wait3A_42 : memref<128xi32, #tpu.memory_space<hbm>>) dst(%arg9 : memref<128xi32, #tpu.memory_space<vmem>>)
      tpu.yield
    }) : () -> ()
    %add3A_6 = arith.constant 0 : i32
    %add3A_7 = arith.addi %mul3A_2, %add3A_6 : i32
    %dma_start3A = arith.constant 0 : i32
    %dma_start3A_8 = arith.constant 0 : i32
    %dma_start3A_9 = tpu.memref_slice %arg2[%dma_start3A, %dma_start3A_8] : memref<10240x128xf32, #tpu.memory_space<hbm>> -> memref<10240x128xf32, #tpu.memory_space<hbm>>
    tpu.enqueue_indirect_dma source(%dma_start3A_9 : memref<10240x128xf32, #tpu.memory_space<hbm>>) target(%arg14 : memref<128x128xf32, #tpu.memory_space<vmem>>) offsets(%arg8 : memref<128xi32, #tpu.memory_space<vmem>>) semaphore(%arg22 : memref<!tpu.dma_semaphore, #tpu.memory_space<semaphore_mem>>)
    %dma_start3A_10 = arith.constant 0 : i32
    %dma_start3A_11 = arith.constant 0 : i32
    %dma_start3A_12 = tpu.memref_slice %arg3[%dma_start3A_10, %dma_start3A_11] : memref<10240x128xf32, #tpu.memory_space<hbm>> -> memref<10240x128xf32, #tpu.memory_space<hbm>>
    tpu.enqueue_indirect_dma source(%dma_start3A_12 : memref<10240x128xf32, #tpu.memory_space<hbm>>) target(%arg15 : memref<128x128xf32, #tpu.memory_space<vmem>>) offsets(%arg9 : memref<128xi32, #tpu.memory_space<vmem>>) semaphore(%arg23 : memref<!tpu.dma_semaphore, #tpu.memory_space<semaphore_mem>>)
    %dma_start3A_13 = arith.constant 0 : i32
    %dma_start3A_14 = tpu.memref_slice %arg4[%add3A_7, %dma_start3A_13] : memref<327680x128xf32, #tpu.memory_space<hbm>> -> memref<128x128xf32, #tpu.memory_space<hbm>>
    %dma_start3A_15 = arith.constant 0 : i32
    %dma_start3A_16 = tpu.memref_slice %arg4[%add3A_7, %dma_start3A_15] : memref<327680x128xf32, #tpu.memory_space<hbm>> -> memref<128x128xf32, #tpu.memory_space<hbm>>
    tpu.enqueue_dma source(%dma_start3A_16 : memref<128x128xf32, #tpu.memory_space<hbm>>) target(%arg16 : memref<128x128xf32, #tpu.memory_space<vmem>>) target_semaphore(%arg24 : memref<!tpu.dma_semaphore, #tpu.memory_space<semaphore_mem>>)
    %add3A_17 = arith.constant 128 : i32
    %add3A_18 = arith.addi %mul3A_2, %add3A_17 : i32
    %dma_start3A_19 = tpu.memref_slice %arg5[%add3A_18] : memref<327680xi32, #tpu.memory_space<hbm>> -> memref<128xi32, #tpu.memory_space<hbm>>
    %dma_start3A_20 = tpu.memref_slice %arg5[%add3A_18] : memref<327680xi32, #tpu.memory_space<hbm>> -> memref<128xi32, #tpu.memory_space<hbm>>
    tpu.enqueue_dma source(%dma_start3A_20 : memref<128xi32, #tpu.memory_space<hbm>>) target(%arg10 : memref<128xi32, #tpu.memory_space<vmem>>) target_semaphore(%arg30 : memref<!tpu.dma_semaphore, #tpu.memory_space<semaphore_mem>>)
    %dma_start3A_21 = tpu.memref_slice %arg6[%add3A_18] : memref<327680xi32, #tpu.memory_space<hbm>> -> memref<128xi32, #tpu.memory_space<hbm>>
    %dma_start3A_22 = tpu.memref_slice %arg6[%add3A_18] : memref<327680xi32, #tpu.memory_space<hbm>> -> memref<128xi32, #tpu.memory_space<hbm>>
    tpu.enqueue_dma source(%dma_start3A_22 : memref<128xi32, #tpu.memory_space<hbm>>) target(%arg11 : memref<128xi32, #tpu.memory_space<vmem>>) target_semaphore(%arg31 : memref<!tpu.dma_semaphore, #tpu.memory_space<semaphore_mem>>)
    %scan3A = arith.constant 0 : i32
    %scan3A_23 = arith.constant 0 : i32
    %scan3A_24 = arith.constant 40 : i32
    %scan3A_25 = arith.addi %scan3A_23, %scan3A_24 : i32
    %scan3A_26 = arith.constant 1 : i32
    scf.for %scan3A_39 = %scan3A_23 to %scan3A_25 step %scan3A_26  : i32 {
      %mul3A_40 = arith.constant 2 : i32
      %mul3A_41 = arith.muli %mul3A_40, %scan3A_39 : i32
      %add3A_42 = arith.constant 1 : i32
      %add3A_43 = arith.addi %mul3A_41, %add3A_42 : i32
      %lt3A = arith.constant 80 : i32
      %lt3A_44 = arith.cmpi slt, %add3A_43, %lt3A : i32
      %convert_element_type3A_45 = arith.extui %lt3A_44 : i1 to i32
      %cond3A_46 = arith.constant 0 : i32
      %cond3A_47 = arith.cmpi ne, %convert_element_type3A_45, %cond3A_46 : i32
      scf.if %cond3A_47 {
        %add3A_129 = arith.constant 1 : i32
        %add3A_130 = arith.addi %mul3A_41, %add3A_129 : i32
        %mul3A_131 = arith.constant 128 : i32
        %mul3A_132 = arith.muli %add3A_130, %mul3A_131 : i32
        %add3A_133 = arith.addi %mul3A_2, %mul3A_132 : i32
        %dma_wait3A_134 = tpu.memref_slice %arg5[%add3A_133] : memref<327680xi32, #tpu.memory_space<hbm>> -> memref<128xi32, #tpu.memory_space<hbm>>
        %dma_wait3A_135 = tpu.memref_slice %arg5[%add3A_133] : memref<327680xi32, #tpu.memory_space<hbm>> -> memref<128xi32, #tpu.memory_space<hbm>>
        tpu.wait_dma2 semaphore(%arg30 : memref<!tpu.dma_semaphore, #tpu.memory_space<semaphore_mem>>) src(%dma_wait3A_135 : memref<128xi32, #tpu.memory_space<hbm>>) dst(%arg10 : memref<128xi32, #tpu.memory_space<vmem>>)
        %dma_wait3A_136 = tpu.memref_slice %arg6[%add3A_133] : memref<327680xi32, #tpu.memory_space<hbm>> -> memref<128xi32, #tpu.memory_space<hbm>>
        %dma_wait3A_137 = tpu.memref_slice %arg6[%add3A_133] : memref<327680xi32, #tpu.memory_space<hbm>> -> memref<128xi32, #tpu.memory_space<hbm>>
        tpu.wait_dma2 semaphore(%arg31 : memref<!tpu.dma_semaphore, #tpu.memory_space<semaphore_mem>>) src(%dma_wait3A_137 : memref<128xi32, #tpu.memory_space<hbm>>) dst(%arg11 : memref<128xi32, #tpu.memory_space<vmem>>)
        %ge3A = arith.constant 1 : i32
        %ge3A_138 = arith.cmpi sge, %mul3A_41, %ge3A : i32
        %convert_element_type3A_139 = arith.extui %ge3A_138 : i1 to i32
        %cond3A_140 = arith.constant 0 : i32
        %cond3A_141 = arith.cmpi ne, %convert_element_type3A_139, %cond3A_140 : i32
        scf.if %cond3A_141 {
          %dma_wait3A_157 = arith.constant 0 : i32
          %dma_wait3A_158 = arith.constant 0 : i32
          %dma_wait3A_159 = tpu.memref_slice %arg21[%dma_wait3A_157, %dma_wait3A_158] : memref<104x128xf32, #tpu.memory_space<vmem_shared>> -> memref<104x128xf32, #tpu.memory_space<vmem_shared>>
          tpu.wait_indirect_dma semaphore(%arg33 : memref<!tpu.dma_semaphore, #tpu.memory_space<semaphore_mem>>) src(%arg17 : memref<128x128xf32, #tpu.memory_space<vmem>>) dst(%dma_wait3A_159 : memref<104x128xf32, #tpu.memory_space<vmem_shared>>)
        } else {
        }
        %add3A_142 = arith.constant 1 : i32
        %add3A_143 = arith.addi %mul3A_41, %add3A_142 : i32
        %mul3A_144 = arith.constant 128 : i32
        %mul3A_145 = arith.muli %add3A_143, %mul3A_144 : i32
        %add3A_146 = arith.addi %mul3A_2, %mul3A_145 : i32
        %dma_start3A_147 = arith.constant 0 : i32
        %dma_start3A_148 = arith.constant 0 : i32
        %dma_start3A_149 = tpu.memref_slice %arg2[%dma_start3A_147, %dma_start3A_148] : memref<10240x128xf32, #tpu.memory_space<hbm>> -> memref<10240x128xf32, #tpu.memory_space<hbm>>
        tpu.enqueue_indirect_dma source(%dma_start3A_149 : memref<10240x128xf32, #tpu.memory_space<hbm>>) target(%arg17 : memref<128x128xf32, #tpu.memory_space<vmem>>) offsets(%arg10 : memref<128xi32, #tpu.memory_space<vmem>>) semaphore(%arg25 : memref<!tpu.dma_semaphore, #tpu.memory_space<semaphore_mem>>)
        %dma_start3A_150 = arith.constant 0 : i32
        %dma_start3A_151 = arith.constant 0 : i32
        %dma_start3A_152 = tpu.memref_slice %arg3[%dma_start3A_150, %dma_start3A_151] : memref<10240x128xf32, #tpu.memory_space<hbm>> -> memref<10240x128xf32, #tpu.memory_space<hbm>>
        tpu.enqueue_indirect_dma source(%dma_start3A_152 : memref<10240x128xf32, #tpu.memory_space<hbm>>) target(%arg18 : memref<128x128xf32, #tpu.memory_space<vmem>>) offsets(%arg11 : memref<128xi32, #tpu.memory_space<vmem>>) semaphore(%arg26 : memref<!tpu.dma_semaphore, #tpu.memory_space<semaphore_mem>>)
        %dma_start3A_153 = arith.constant 0 : i32
        %dma_start3A_154 = tpu.memref_slice %arg4[%add3A_146, %dma_start3A_153] : memref<327680x128xf32, #tpu.memory_space<hbm>> -> memref<128x128xf32, #tpu.memory_space<hbm>>
        %dma_start3A_155 = arith.constant 0 : i32
        %dma_start3A_156 = tpu.memref_slice %arg4[%add3A_146, %dma_start3A_155] : memref<327680x128xf32, #tpu.memory_space<hbm>> -> memref<128x128xf32, #tpu.memory_space<hbm>>
        tpu.enqueue_dma source(%dma_start3A_156 : memref<128x128xf32, #tpu.memory_space<hbm>>) target(%arg19 : memref<128x128xf32, #tpu.memory_space<vmem>>) target_semaphore(%arg27 : memref<!tpu.dma_semaphore, #tpu.memory_space<semaphore_mem>>)
      } else {
      }
      %scan3A_48 = arith.constant 0 : i32
      %scan3A_49 = arith.constant 0 : i32
      %scan3A_50 = arith.constant 8 : i32
      %scan3A_51 = arith.addi %scan3A_49, %scan3A_50 : i32
      %scan3A_52 = arith.constant 1 : i32
      scf.for %scan3A_129 = %scan3A_49 to %scan3A_51 step %scan3A_52  : i32 {
        %mul3A_130 = arith.constant 16 : i32
        %mul3A_131 = arith.muli %scan3A_129, %mul3A_130 : i32
        %get3A = arith.index_cast %mul3A_131 : i32 to index
        %get3A_132 = tpu.vector_load %arg8[%get3A] {strides = array<i32>} : memref<128xi32, #tpu.memory_space<vmem>>, vector<16xi32>,
        %get3A_133 = vector.shape_cast %get3A_132 : vector<16xi32> to vector<16xi32>
        %mul3A_134 = arith.constant 5243 : i32
        %mul3A_135 = vector.broadcast %mul3A_134 : i32 to vector<16xi32>
        %mul3A_136 = arith.muli %get3A_133, %mul3A_135 : vector<16xi32>
        %shift_right_logical3A = arith.constant 19 : i32
        %shift_right_logical3A_137 = vector.broadcast %shift_right_logical3A : i32 to vector<16xi32>
        %shift_right_logical3A_138 = arith.shrui %mul3A_136, %shift_right_logical3A_137 : vector<16xi32>
        %swap3A = arith.index_cast %mul3A_131 : i32 to index
        %swap3A_139 = tpu.vector_load %arg12[%swap3A] {strides = array<i32>} : memref<128xi32, #tpu.memory_space<vmem>>, vector<16xi32>,
        %swap3A_140 = vector.shape_cast %swap3A_139 : vector<16xi32> to vector<16xi32>
        %swap3A_141 = vector.shape_cast %shift_right_logical3A_138 : vector<16xi32> to vector<16xi32>
        tpu.vector_store %arg12[%swap3A], %swap3A_141 {strides = array<i32>} : memref<128xi32, #tpu.memory_space<vmem>>, vector<16xi32>,
      }
      %scan3A_53 = arith.constant 8 : i32
      %mul3A_54 = arith.constant 128 : i32
      %mul3A_55 = arith.muli %mul3A_41, %mul3A_54 : i32
      %add3A_56 = arith.addi %mul3A_2, %mul3A_55 : i32
      %dma_wait3A_57 = arith.constant 0 : i32
      %dma_wait3A_58 = arith.constant 0 : i32
      %dma_wait3A_59 = tpu.memref_slice %arg2[%dma_wait3A_57, %dma_wait3A_58] : memref<10240x128xf32, #tpu.memory_space<hbm>> -> memref<10240x128xf32, #tpu.memory_space<hbm>>
      tpu.wait_indirect_dma semaphore(%arg22 : memref<!tpu.dma_semaphore, #tpu.memory_space<semaphore_mem>>) src(%dma_wait3A_59 : memref<10240x128xf32, #tpu.memory_space<hbm>>) dst(%arg14 : memref<128x128xf32, #tpu.memory_space<vmem>>)
      %dma_wait3A_60 = arith.constant 0 : i32
      %dma_wait3A_61 = arith.constant 0 : i32
      %dma_wait3A_62 = tpu.memref_slice %arg3[%dma_wait3A_60, %dma_wait3A_61] : memref<10240x128xf32, #tpu.memory_space<hbm>> -> memref<10240x128xf32, #tpu.memory_space<hbm>>
      tpu.wait_indirect_dma semaphore(%arg23 : memref<!tpu.dma_semaphore, #tpu.memory_space<semaphore_mem>>) src(%dma_wait3A_62 : memref<10240x128xf32, #tpu.memory_space<hbm>>) dst(%arg15 : memref<128x128xf32, #tpu.memory_space<vmem>>)
      %dma_wait3A_63 = arith.constant 0 : i32
      %dma_wait3A_64 = tpu.memref_slice %arg4[%add3A_56, %dma_wait3A_63] : memref<327680x128xf32, #tpu.memory_space<hbm>> -> memref<128x128xf32, #tpu.memory_space<hbm>>
      %dma_wait3A_65 = arith.constant 0 : i32
      %dma_wait3A_66 = tpu.memref_slice %arg4[%add3A_56, %dma_wait3A_65] : memref<327680x128xf32, #tpu.memory_space<hbm>> -> memref<128x128xf32, #tpu.memory_space<hbm>>
      tpu.wait_dma2 semaphore(%arg24 : memref<!tpu.dma_semaphore, #tpu.memory_space<semaphore_mem>>) src(%dma_wait3A_66 : memref<128x128xf32, #tpu.memory_space<hbm>>) dst(%arg16 : memref<128x128xf32, #tpu.memory_space<vmem>>)
      %add3A_67 = arith.constant 2 : i32
      %add3A_68 = arith.addi %mul3A_41, %add3A_67 : i32
      %lt3A_69 = arith.constant 80 : i32
      %lt3A_70 = arith.cmpi slt, %add3A_68, %lt3A_69 : i32
      %convert_element_type3A_71 = arith.extui %lt3A_70 : i1 to i32
      %cond3A_72 = arith.constant 0 : i32
      %cond3A_73 = arith.cmpi ne, %convert_element_type3A_71, %cond3A_72 : i32
      scf.if %cond3A_73 {
        %add3A_129 = arith.constant 2 : i32
        %add3A_130 = arith.addi %mul3A_41, %add3A_129 : i32
        %mul3A_131 = arith.constant 128 : i32
        %mul3A_132 = arith.muli %add3A_130, %mul3A_131 : i32
        %add3A_133 = arith.addi %mul3A_2, %mul3A_132 : i32
        %dma_start3A_134 = tpu.memref_slice %arg5[%add3A_133] : memref<327680xi32, #tpu.memory_space<hbm>> -> memref<128xi32, #tpu.memory_space<hbm>>
        %dma_start3A_135 = tpu.memref_slice %arg5[%add3A_133] : memref<327680xi32, #tpu.memory_space<hbm>> -> memref<128xi32, #tpu.memory_space<hbm>>
        tpu.enqueue_dma source(%dma_start3A_135 : memref<128xi32, #tpu.memory_space<hbm>>) target(%arg8 : memref<128xi32, #tpu.memory_space<vmem>>) target_semaphore(%arg28 : memref<!tpu.dma_semaphore, #tpu.memory_space<semaphore_mem>>)
        %dma_start3A_136 = tpu.memref_slice %arg6[%add3A_133] : memref<327680xi32, #tpu.memory_space<hbm>> -> memref<128xi32, #tpu.memory_space<hbm>>
        %dma_start3A_137 = tpu.memref_slice %arg6[%add3A_133] : memref<327680xi32, #tpu.memory_space<hbm>> -> memref<128xi32, #tpu.memory_space<hbm>>
        tpu.enqueue_dma source(%dma_start3A_137 : memref<128xi32, #tpu.memory_space<hbm>>) target(%arg9 : memref<128xi32, #tpu.memory_space<vmem>>) target_semaphore(%arg29 : memref<!tpu.dma_semaphore, #tpu.memory_space<semaphore_mem>>)
      } else {
      }
      %scan3A_74 = arith.constant 0 : i32
      %scan3A_75 = arith.constant 0 : i32
      %scan3A_76 = arith.constant 128 : i32
      %scan3A_77 = arith.addi %scan3A_75, %scan3A_76 : i32
      %scan3A_78 = arith.constant 1 : i32
      scf.for %scan3A_129 = %scan3A_75 to %scan3A_77 step %scan3A_78  : i32 {
        %get3A = arith.index_cast %scan3A_129 : i32 to index
        %get3A_130 = arith.constant 0 : index
        %get3A_131 = tpu.vector_load %arg14[%get3A, %get3A_130] {strides = array<i32>} : memref<128x128xf32, #tpu.memory_space<vmem>>, vector<1x16xf32>,
        %get3A_132 = vector.shape_cast %get3A_131 : vector<1x16xf32> to vector<16xf32>
        %get3A_133 = arith.index_cast %scan3A_129 : i32 to index
        %get3A_134 = arith.constant 0 : index
        %get3A_135 = tpu.vector_load %arg15[%get3A_133, %get3A_134] {strides = array<i32>} : memref<128x128xf32, #tpu.memory_space<vmem>>, vector<1x16xf32>,
        %get3A_136 = vector.shape_cast %get3A_135 : vector<1x16xf32> to vector<16xf32>
        %add3A_137 = arith.addf %get3A_132, %get3A_136 : vector<16xf32>
        %get3A_138 = arith.index_cast %scan3A_129 : i32 to index
        %get3A_139 = arith.constant 0 : index
        %get3A_140 = tpu.vector_load %arg16[%get3A_138, %get3A_139] {strides = array<i32>} : memref<128x128xf32, #tpu.memory_space<vmem>>, vector<1x16xf32>,
        %get3A_141 = vector.shape_cast %get3A_140 : vector<1x16xf32> to vector<16xf32>
        %add3A_142 = arith.addf %add3A_137, %get3A_141 : vector<16xf32>
        %max3A = arith.constant 0.000000e+00 : f32
        %max3A_143 = vector.broadcast %max3A : f32 to vector<16xf32>
        %max3A_144 = arith.maximumf %add3A_142, %max3A_143 : vector<16xf32>
        %swap3A = arith.index_cast %scan3A_129 : i32 to index
        %swap3A_145 = arith.constant 0 : index
        %swap3A_146 = tpu.vector_load %arg14[%swap3A, %swap3A_145] {strides = array<i32>} : memref<128x128xf32, #tpu.memory_space<vmem>>, vector<1x16xf32>,
        %swap3A_147 = vector.shape_cast %swap3A_146 : vector<1x16xf32> to vector<16xf32>
        %swap3A_148 = vector.shape_cast %max3A_144 : vector<16xf32> to vector<1x16xf32>
        tpu.vector_store %arg14[%swap3A, %swap3A_145], %swap3A_148 {strides = array<i32>} : memref<128x128xf32, #tpu.memory_space<vmem>>, vector<1x16xf32>,
        %get3A_149 = arith.index_cast %scan3A_129 : i32 to index
        %get3A_150 = arith.constant 16 : index
        %get3A_151 = tpu.vector_load %arg14[%get3A_149, %get3A_150] {strides = array<i32>} : memref<128x128xf32, #tpu.memory_space<vmem>>, vector<1x16xf32>,
        %get3A_152 = vector.shape_cast %get3A_151 : vector<1x16xf32> to vector<16xf32>
        %get3A_153 = arith.index_cast %scan3A_129 : i32 to index
        %get3A_154 = arith.constant 16 : index
        %get3A_155 = tpu.vector_load %arg15[%get3A_153, %get3A_154] {strides = array<i32>} : memref<128x128xf32, #tpu.memory_space<vmem>>, vector<1x16xf32>,
        %get3A_156 = vector.shape_cast %get3A_155 : vector<1x16xf32> to vector<16xf32>
        %add3A_157 = arith.addf %get3A_152, %get3A_156 : vector<16xf32>
        %get3A_158 = arith.index_cast %scan3A_129 : i32 to index
        %get3A_159 = arith.constant 16 : index
        %get3A_160 = tpu.vector_load %arg16[%get3A_158, %get3A_159] {strides = array<i32>} : memref<128x128xf32, #tpu.memory_space<vmem>>, vector<1x16xf32>,
        %get3A_161 = vector.shape_cast %get3A_160 : vector<1x16xf32> to vector<16xf32>
        %add3A_162 = arith.addf %add3A_157, %get3A_161 : vector<16xf32>
        %max3A_163 = arith.constant 0.000000e+00 : f32
        %max3A_164 = vector.broadcast %max3A_163 : f32 to vector<16xf32>
        %max3A_165 = arith.maximumf %add3A_162, %max3A_164 : vector<16xf32>
        %swap3A_166 = arith.index_cast %scan3A_129 : i32 to index
        %swap3A_167 = arith.constant 16 : index
        %swap3A_168 = tpu.vector_load %arg14[%swap3A_166, %swap3A_167] {strides = array<i32>} : memref<128x128xf32, #tpu.memory_space<vmem>>, vector<1x16xf32>,
        %swap3A_169 = vector.shape_cast %swap3A_168 : vector<1x16xf32> to vector<16xf32>
        %swap3A_170 = vector.shape_cast %max3A_165 : vector<16xf32> to vector<1x16xf32>
        tpu.vector_store %arg14[%swap3A_166, %swap3A_167], %swap3A_170 {strides = array<i32>} : memref<128x128xf32, #tpu.memory_space<vmem>>, vector<1x16xf32>,
        %get3A_171 = arith.index_cast %scan3A_129 : i32 to index
        %get3A_172 = arith.constant 32 : index
        %get3A_173 = tpu.vector_load %arg14[%get3A_171, %get3A_172] {strides = array<i32>} : memref<128x128xf32, #tpu.memory_space<vmem>>, vector<1x16xf32>,
        %get3A_174 = vector.shape_cast %get3A_173 : vector<1x16xf32> to vector<16xf32>
        %get3A_175 = arith.index_cast %scan3A_129 : i32 to index
        %get3A_176 = arith.constant 32 : index
        %get3A_177 = tpu.vector_load %arg15[%get3A_175, %get3A_176] {strides = array<i32>} : memref<128x128xf32, #tpu.memory_space<vmem>>, vector<1x16xf32>,
        %get3A_178 = vector.shape_cast %get3A_177 : vector<1x16xf32> to vector<16xf32>
        %add3A_179 = arith.addf %get3A_174, %get3A_178 : vector<16xf32>
        %get3A_180 = arith.index_cast %scan3A_129 : i32 to index
        %get3A_181 = arith.constant 32 : index
        %get3A_182 = tpu.vector_load %arg16[%get3A_180, %get3A_181] {strides = array<i32>} : memref<128x128xf32, #tpu.memory_space<vmem>>, vector<1x16xf32>,
        %get3A_183 = vector.shape_cast %get3A_182 : vector<1x16xf32> to vector<16xf32>
        %add3A_184 = arith.addf %add3A_179, %get3A_183 : vector<16xf32>
        %max3A_185 = arith.constant 0.000000e+00 : f32
        %max3A_186 = vector.broadcast %max3A_185 : f32 to vector<16xf32>
        %max3A_187 = arith.maximumf %add3A_184, %max3A_186 : vector<16xf32>
        %swap3A_188 = arith.index_cast %scan3A_129 : i32 to index
        %swap3A_189 = arith.constant 32 : index
        %swap3A_190 = tpu.vector_load %arg14[%swap3A_188, %swap3A_189] {strides = array<i32>} : memref<128x128xf32, #tpu.memory_space<vmem>>, vector<1x16xf32>,
        %swap3A_191 = vector.shape_cast %swap3A_190 : vector<1x16xf32> to vector<16xf32>
        %swap3A_192 = vector.shape_cast %max3A_187 : vector<16xf32> to vector<1x16xf32>
        tpu.vector_store %arg14[%swap3A_188, %swap3A_189], %swap3A_192 {strides = array<i32>} : memref<128x128xf32, #tpu.memory_space<vmem>>, vector<1x16xf32>,
        %get3A_193 = arith.index_cast %scan3A_129 : i32 to index
        %get3A_194 = arith.constant 48 : index
        %get3A_195 = tpu.vector_load %arg14[%get3A_193, %get3A_194] {strides = array<i32>} : memref<128x128xf32, #tpu.memory_space<vmem>>, vector<1x16xf32>,
        %get3A_196 = vector.shape_cast %get3A_195 : vector<1x16xf32> to vector<16xf32>
        %get3A_197 = arith.index_cast %scan3A_129 : i32 to index
        %get3A_198 = arith.constant 48 : index
        %get3A_199 = tpu.vector_load %arg15[%get3A_197, %get3A_198] {strides = array<i32>} : memref<128x128xf32, #tpu.memory_space<vmem>>, vector<1x16xf32>,
        %get3A_200 = vector.shape_cast %get3A_199 : vector<1x16xf32> to vector<16xf32>
        %add3A_201 = arith.addf %get3A_196, %get3A_200 : vector<16xf32>
        %get3A_202 = arith.index_cast %scan3A_129 : i32 to index
        %get3A_203 = arith.constant 48 : index
        %get3A_204 = tpu.vector_load %arg16[%get3A_202, %get3A_203] {strides = array<i32>} : memref<128x128xf32, #tpu.memory_space<vmem>>, vector<1x16xf32>,
        %get3A_205 = vector.shape_cast %get3A_204 : vector<1x16xf32> to vector<16xf32>
        %add3A_206 = arith.addf %add3A_201, %get3A_205 : vector<16xf32>
        %max3A_207 = arith.constant 0.000000e+00 : f32
        %max3A_208 = vector.broadcast %max3A_207 : f32 to vector<16xf32>
        %max3A_209 = arith.maximumf %add3A_206, %max3A_208 : vector<16xf32>
        %swap3A_210 = arith.index_cast %scan3A_129 : i32 to index
        %swap3A_211 = arith.constant 48 : index
        %swap3A_212 = tpu.vector_load %arg14[%swap3A_210, %swap3A_211] {strides = array<i32>} : memref<128x128xf32, #tpu.memory_space<vmem>>, vector<1x16xf32>,
        %swap3A_213 = vector.shape_cast %swap3A_212 : vector<1x16xf32> to vector<16xf32>
        %swap3A_214 = vector.shape_cast %max3A_209 : vector<16xf32> to vector<1x16xf32>
        tpu.vector_store %arg14[%swap3A_210, %swap3A_211], %swap3A_214 {strides = array<i32>} : memref<128x128xf32, #tpu.memory_space<vmem>>, vector<1x16xf32>,
        %get3A_215 = arith.index_cast %scan3A_129 : i32 to index
        %get3A_216 = arith.constant 64 : index
        %get3A_217 = tpu.vector_load %arg14[%get3A_215, %get3A_216] {strides = array<i32>} : memref<128x128xf32, #tpu.memory_space<vmem>>, vector<1x16xf32>,
        %get3A_218 = vector.shape_cast %get3A_217 : vector<1x16xf32> to vector<16xf32>
        %get3A_219 = arith.index_cast %scan3A_129 : i32 to index
        %get3A_220 = arith.constant 64 : index
        %get3A_221 = tpu.vector_load %arg15[%get3A_219, %get3A_220] {strides = array<i32>} : memref<128x128xf32, #tpu.memory_space<vmem>>, vector<1x16xf32>,
        %get3A_222 = vector.shape_cast %get3A_221 : vector<1x16xf32> to vector<16xf32>
        %add3A_223 = arith.addf %get3A_218, %get3A_222 : vector<16xf32>
        %get3A_224 = arith.index_cast %scan3A_129 : i32 to index
        %get3A_225 = arith.constant 64 : index
        %get3A_226 = tpu.vector_load %arg16[%get3A_224, %get3A_225] {strides = array<i32>} : memref<128x128xf32, #tpu.memory_space<vmem>>, vector<1x16xf32>,
        %get3A_227 = vector.shape_cast %get3A_226 : vector<1x16xf32> to vector<16xf32>
        %add3A_228 = arith.addf %add3A_223, %get3A_227 : vector<16xf32>
        %max3A_229 = arith.constant 0.000000e+00 : f32
        %max3A_230 = vector.broadcast %max3A_229 : f32 to vector<16xf32>
        %max3A_231 = arith.maximumf %add3A_228, %max3A_230 : vector<16xf32>
        %swap3A_232 = arith.index_cast %scan3A_129 : i32 to index
        %swap3A_233 = arith.constant 64 : index
        %swap3A_234 = tpu.vector_load %arg14[%swap3A_232, %swap3A_233] {strides = array<i32>} : memref<128x128xf32, #tpu.memory_space<vmem>>, vector<1x16xf32>,
        %swap3A_235 = vector.shape_cast %swap3A_234 : vector<1x16xf32> to vector<16xf32>
        %swap3A_236 = vector.shape_cast %max3A_231 : vector<16xf32> to vector<1x16xf32>
        tpu.vector_store %arg14[%swap3A_232, %swap3A_233], %swap3A_236 {strides = array<i32>} : memref<128x128xf32, #tpu.memory_space<vmem>>, vector<1x16xf32>,
        %get3A_237 = arith.index_cast %scan3A_129 : i32 to index
        %get3A_238 = arith.constant 80 : index
        %get3A_239 = tpu.vector_load %arg14[%get3A_237, %get3A_238] {strides = array<i32>} : memref<128x128xf32, #tpu.memory_space<vmem>>, vector<1x16xf32>,
        %get3A_240 = vector.shape_cast %get3A_239 : vector<1x16xf32> to vector<16xf32>
        %get3A_241 = arith.index_cast %scan3A_129 : i32 to index
        %get3A_242 = arith.constant 80 : index
        %get3A_243 = tpu.vector_load %arg15[%get3A_241, %get3A_242] {strides = array<i32>} : memref<128x128xf32, #tpu.memory_space<vmem>>, vector<1x16xf32>,
        %get3A_244 = vector.shape_cast %get3A_243 : vector<1x16xf32> to vector<16xf32>
        %add3A_245 = arith.addf %get3A_240, %get3A_244 : vector<16xf32>
        %get3A_246 = arith.index_cast %scan3A_129 : i32 to index
        %get3A_247 = arith.constant 80 : index
        %get3A_248 = tpu.vector_load %arg16[%get3A_246, %get3A_247] {strides = array<i32>} : memref<128x128xf32, #tpu.memory_space<vmem>>, vector<1x16xf32>,
        %get3A_249 = vector.shape_cast %get3A_248 : vector<1x16xf32> to vector<16xf32>
        %add3A_250 = arith.addf %add3A_245, %get3A_249 : vector<16xf32>
        %max3A_251 = arith.constant 0.000000e+00 : f32
        %max3A_252 = vector.broadcast %max3A_251 : f32 to vector<16xf32>
        %max3A_253 = arith.maximumf %add3A_250, %max3A_252 : vector<16xf32>
        %swap3A_254 = arith.index_cast %scan3A_129 : i32 to index
        %swap3A_255 = arith.constant 80 : index
        %swap3A_256 = tpu.vector_load %arg14[%swap3A_254, %swap3A_255] {strides = array<i32>} : memref<128x128xf32, #tpu.memory_space<vmem>>, vector<1x16xf32>,
        %swap3A_257 = vector.shape_cast %swap3A_256 : vector<1x16xf32> to vector<16xf32>
        %swap3A_258 = vector.shape_cast %max3A_253 : vector<16xf32> to vector<1x16xf32>
        tpu.vector_store %arg14[%swap3A_254, %swap3A_255], %swap3A_258 {strides = array<i32>} : memref<128x128xf32, #tpu.memory_space<vmem>>, vector<1x16xf32>,
        %get3A_259 = arith.index_cast %scan3A_129 : i32 to index
        %get3A_260 = arith.constant 96 : index
        %get3A_261 = tpu.vector_load %arg14[%get3A_259, %get3A_260] {strides = array<i32>} : memref<128x128xf32, #tpu.memory_space<vmem>>, vector<1x16xf32>,
        %get3A_262 = vector.shape_cast %get3A_261 : vector<1x16xf32> to vector<16xf32>
        %get3A_263 = arith.index_cast %scan3A_129 : i32 to index
        %get3A_264 = arith.constant 96 : index
        %get3A_265 = tpu.vector_load %arg15[%get3A_263, %get3A_264] {strides = array<i32>} : memref<128x128xf32, #tpu.memory_space<vmem>>, vector<1x16xf32>,
        %get3A_266 = vector.shape_cast %get3A_265 : vector<1x16xf32> to vector<16xf32>
        %add3A_267 = arith.addf %get3A_262, %get3A_266 : vector<16xf32>
        %get3A_268 = arith.index_cast %scan3A_129 : i32 to index
        %get3A_269 = arith.constant 96 : index
        %get3A_270 = tpu.vector_load %arg16[%get3A_268, %get3A_269] {strides = array<i32>} : memref<128x128xf32, #tpu.memory_space<vmem>>, vector<1x16xf32>,
        %get3A_271 = vector.shape_cast %get3A_270 : vector<1x16xf32> to vector<16xf32>
        %add3A_272 = arith.addf %add3A_267, %get3A_271 : vector<16xf32>
        %max3A_273 = arith.constant 0.000000e+00 : f32
        %max3A_274 = vector.broadcast %max3A_273 : f32 to vector<16xf32>
        %max3A_275 = arith.maximumf %add3A_272, %max3A_274 : vector<16xf32>
        %swap3A_276 = arith.index_cast %scan3A_129 : i32 to index
        %swap3A_277 = arith.constant 96 : index
        %swap3A_278 = tpu.vector_load %arg14[%swap3A_276, %swap3A_277] {strides = array<i32>} : memref<128x128xf32, #tpu.memory_space<vmem>>, vector<1x16xf32>,
        %swap3A_279 = vector.shape_cast %swap3A_278 : vector<1x16xf32> to vector<16xf32>
        %swap3A_280 = vector.shape_cast %max3A_275 : vector<16xf32> to vector<1x16xf32>
        tpu.vector_store %arg14[%swap3A_276, %swap3A_277], %swap3A_280 {strides = array<i32>} : memref<128x128xf32, #tpu.memory_space<vmem>>, vector<1x16xf32>,
        %get3A_281 = arith.index_cast %scan3A_129 : i32 to index
        %get3A_282 = arith.constant 112 : index
        %get3A_283 = tpu.vector_load %arg14[%get3A_281, %get3A_282] {strides = array<i32>} : memref<128x128xf32, #tpu.memory_space<vmem>>, vector<1x16xf32>,
        %get3A_284 = vector.shape_cast %get3A_283 : vector<1x16xf32> to vector<16xf32>
        %get3A_285 = arith.index_cast %scan3A_129 : i32 to index
        %get3A_286 = arith.constant 112 : index
        %get3A_287 = tpu.vector_load %arg15[%get3A_285, %get3A_286] {strides = array<i32>} : memref<128x128xf32, #tpu.memory_space<vmem>>, vector<1x16xf32>,
        %get3A_288 = vector.shape_cast %get3A_287 : vector<1x16xf32> to vector<16xf32>
        %add3A_289 = arith.addf %get3A_284, %get3A_288 : vector<16xf32>
        %get3A_290 = arith.index_cast %scan3A_129 : i32 to index
        %get3A_291 = arith.constant 112 : index
        %get3A_292 = tpu.vector_load %arg16[%get3A_290, %get3A_291] {strides = array<i32>} : memref<128x128xf32, #tpu.memory_space<vmem>>, vector<1x16xf32>,
        %get3A_293 = vector.shape_cast %get3A_292 : vector<1x16xf32> to vector<16xf32>
        %add3A_294 = arith.addf %add3A_289, %get3A_293 : vector<16xf32>
        %max3A_295 = arith.constant 0.000000e+00 : f32
        %max3A_296 = vector.broadcast %max3A_295 : f32 to vector<16xf32>
        %max3A_297 = arith.maximumf %add3A_294, %max3A_296 : vector<16xf32>
        %swap3A_298 = arith.index_cast %scan3A_129 : i32 to index
        %swap3A_299 = arith.constant 112 : index
        %swap3A_300 = tpu.vector_load %arg14[%swap3A_298, %swap3A_299] {strides = array<i32>} : memref<128x128xf32, #tpu.memory_space<vmem>>, vector<1x16xf32>,
        %swap3A_301 = vector.shape_cast %swap3A_300 : vector<1x16xf32> to vector<16xf32>
        %swap3A_302 = vector.shape_cast %max3A_297 : vector<16xf32> to vector<1x16xf32>
        tpu.vector_store %arg14[%swap3A_298, %swap3A_299], %swap3A_302 {strides = array<i32>} : memref<128x128xf32, #tpu.memory_space<vmem>>, vector<1x16xf32>,
      }
      %scan3A_79 = arith.constant 128 : i32
      %dma_start3A_80 = arith.constant 0 : i32
      %dma_start3A_81 = arith.constant 0 : i32
      %dma_start3A_82 = tpu.memref_slice %arg21[%dma_start3A_80, %dma_start3A_81] : memref<104x128xf32, #tpu.memory_space<vmem_shared>> -> memref<104x128xf32, #tpu.memory_space<vmem_shared>>
      tpu.enqueue_indirect_dma source(%arg14 : memref<128x128xf32, #tpu.memory_space<vmem>>) target(%dma_start3A_82 : memref<104x128xf32, #tpu.memory_space<vmem_shared>>) offsets(%arg12 : memref<128xi32, #tpu.memory_space<vmem>>) semaphore(%arg32 : memref<!tpu.dma_semaphore, #tpu.memory_space<semaphore_mem>>) {add = true}
      %mul3A_83 = arith.constant 2 : i32
      %mul3A_84 = arith.muli %mul3A_83, %scan3A_39 : i32
      %add3A_85 = arith.constant 1 : i32
      %add3A_86 = arith.addi %mul3A_84, %add3A_85 : i32
      %add3A_87 = arith.constant 1 : i32
      %add3A_88 = arith.addi %add3A_86, %add3A_87 : i32
      %lt3A_89 = arith.constant 80 : i32
      %lt3A_90 = arith.cmpi slt, %add3A_88, %lt3A_89 : i32
      %convert_element_type3A_91 = arith.extui %lt3A_90 : i1 to i32
      %cond3A_92 = arith.constant 0 : i32
      %cond3A_93 = arith.cmpi ne, %convert_element_type3A_91, %cond3A_92 : i32
      scf.if %cond3A_93 {
        %add3A_129 = arith.constant 1 : i32
        %add3A_130 = arith.addi %add3A_86, %add3A_129 : i32
        %mul3A_131 = arith.constant 128 : i32
        %mul3A_132 = arith.muli %add3A_130, %mul3A_131 : i32
        %add3A_133 = arith.addi %mul3A_2, %mul3A_132 : i32
        %dma_wait3A_134 = tpu.memref_slice %arg5[%add3A_133] : memref<327680xi32, #tpu.memory_space<hbm>> -> memref<128xi32, #tpu.memory_space<hbm>>
        %dma_wait3A_135 = tpu.memref_slice %arg5[%add3A_133] : memref<327680xi32, #tpu.memory_space<hbm>> -> memref<128xi32, #tpu.memory_space<hbm>>
        tpu.wait_dma2 semaphore(%arg28 : memref<!tpu.dma_semaphore, #tpu.memory_space<semaphore_mem>>) src(%dma_wait3A_135 : memref<128xi32, #tpu.memory_space<hbm>>) dst(%arg8 : memref<128xi32, #tpu.memory_space<vmem>>)
        %dma_wait3A_136 = tpu.memref_slice %arg6[%add3A_133] : memref<327680xi32, #tpu.memory_space<hbm>> -> memref<128xi32, #tpu.memory_space<hbm>>
        %dma_wait3A_137 = tpu.memref_slice %arg6[%add3A_133] : memref<327680xi32, #tpu.memory_space<hbm>> -> memref<128xi32, #tpu.memory_space<hbm>>
        tpu.wait_dma2 semaphore(%arg29 : memref<!tpu.dma_semaphore, #tpu.memory_space<semaphore_mem>>) src(%dma_wait3A_137 : memref<128xi32, #tpu.memory_space<hbm>>) dst(%arg9 : memref<128xi32, #tpu.memory_space<vmem>>)
        %ge3A = arith.constant 1 : i32
        %ge3A_138 = arith.cmpi sge, %add3A_86, %ge3A : i32
        %convert_element_type3A_139 = arith.extui %ge3A_138 : i1 to i32
        %cond3A_140 = arith.constant 0 : i32
        %cond3A_141 = arith.cmpi ne, %convert_element_type3A_139, %cond3A_140 : i32
        scf.if %cond3A_141 {
          %dma_wait3A_157 = arith.constant 0 : i32
          %dma_wait3A_158 = arith.constant 0 : i32
          %dma_wait3A_159 = tpu.memref_slice %arg21[%dma_wait3A_157, %dma_wait3A_158] : memref<104x128xf32, #tpu.memory_space<vmem_shared>> -> memref<104x128xf32, #tpu.memory_space<vmem_shared>>
          tpu.wait_indirect_dma semaphore(%arg32 : memref<!tpu.dma_semaphore, #tpu.memory_space<semaphore_mem>>) src(%arg14 : memref<128x128xf32, #tpu.memory_space<vmem>>) dst(%dma_wait3A_159 : memref<104x128xf32, #tpu.memory_space<vmem_shared>>)
        } else {
        }
        %add3A_142 = arith.constant 1 : i32
        %add3A_143 = arith.addi %add3A_86, %add3A_142 : i32
        %mul3A_144 = arith.constant 128 : i32
        %mul3A_145 = arith.muli %add3A_143, %mul3A_144 : i32
        %add3A_146 = arith.addi %mul3A_2, %mul3A_145 : i32
        %dma_start3A_147 = arith.constant 0 : i32
        %dma_start3A_148 = arith.constant 0 : i32
        %dma_start3A_149 = tpu.memref_slice %arg2[%dma_start3A_147, %dma_start3A_148] : memref<10240x128xf32, #tpu.memory_space<hbm>> -> memref<10240x128xf32, #tpu.memory_space<hbm>>
        tpu.enqueue_indirect_dma source(%dma_start3A_149 : memref<10240x128xf32, #tpu.memory_space<hbm>>) target(%arg14 : memref<128x128xf32, #tpu.memory_space<vmem>>) offsets(%arg8 : memref<128xi32, #tpu.memory_space<vmem>>) semaphore(%arg22 : memref<!tpu.dma_semaphore, #tpu.memory_space<semaphore_mem>>)
        %dma_start3A_150 = arith.constant 0 : i32
        %dma_start3A_151 = arith.constant 0 : i32
        %dma_start3A_152 = tpu.memref_slice %arg3[%dma_start3A_150, %dma_start3A_151] : memref<10240x128xf32, #tpu.memory_space<hbm>> -> memref<10240x128xf32, #tpu.memory_space<hbm>>
        tpu.enqueue_indirect_dma source(%dma_start3A_152 : memref<10240x128xf32, #tpu.memory_space<hbm>>) target(%arg15 : memref<128x128xf32, #tpu.memory_space<vmem>>) offsets(%arg9 : memref<128xi32, #tpu.memory_space<vmem>>) semaphore(%arg23 : memref<!tpu.dma_semaphore, #tpu.memory_space<semaphore_mem>>)
        %dma_start3A_153 = arith.constant 0 : i32
        %dma_start3A_154 = tpu.memref_slice %arg4[%add3A_146, %dma_start3A_153] : memref<327680x128xf32, #tpu.memory_space<hbm>> -> memref<128x128xf32, #tpu.memory_space<hbm>>
        %dma_start3A_155 = arith.constant 0 : i32
        %dma_start3A_156 = tpu.memref_slice %arg4[%add3A_146, %dma_start3A_155] : memref<327680x128xf32, #tpu.memory_space<hbm>> -> memref<128x128xf32, #tpu.memory_space<hbm>>
        tpu.enqueue_dma source(%dma_start3A_156 : memref<128x128xf32, #tpu.memory_space<hbm>>) target(%arg16 : memref<128x128xf32, #tpu.memory_space<vmem>>) target_semaphore(%arg24 : memref<!tpu.dma_semaphore, #tpu.memory_space<semaphore_mem>>)
      } else {
      }
      %scan3A_94 = arith.constant 0 : i32
      %scan3A_95 = arith.constant 0 : i32
      %scan3A_96 = arith.constant 8 : i32
      %scan3A_97 = arith.addi %scan3A_95, %scan3A_96 : i32
      %scan3A_98 = arith.constant 1 : i32
      scf.for %scan3A_129 = %scan3A_95 to %scan3A_97 step %scan3A_98  : i32 {
        %mul3A_130 = arith.constant 16 : i32
        %mul3A_131 = arith.muli %scan3A_129, %mul3A_130 : i32
        %get3A = arith.index_cast %mul3A_131 : i32 to index
        %get3A_132 = tpu.vector_load %arg10[%get3A] {strides = array<i32>} : memref<128xi32, #tpu.memory_space<vmem>>, vector<16xi32>,
        %get3A_133 = vector.shape_cast %get3A_132 : vector<16xi32> to vector<16xi32>
        %mul3A_134 = arith.constant 5243 : i32
        %mul3A_135 = vector.broadcast %mul3A_134 : i32 to vector<16xi32>
        %mul3A_136 = arith.muli %get3A_133, %mul3A_135 : vector<16xi32>
        %shift_right_logical3A = arith.constant 19 : i32
        %shift_right_logical3A_137 = vector.broadcast %shift_right_logical3A : i32 to vector<16xi32>
        %shift_right_logical3A_138 = arith.shrui %mul3A_136, %shift_right_logical3A_137 : vector<16xi32>
        %swap3A = arith.index_cast %mul3A_131 : i32 to index
        %swap3A_139 = tpu.vector_load %arg13[%swap3A] {strides = array<i32>} : memref<128xi32, #tpu.memory_space<vmem>>, vector<16xi32>,
        %swap3A_140 = vector.shape_cast %swap3A_139 : vector<16xi32> to vector<16xi32>
        %swap3A_141 = vector.shape_cast %shift_right_logical3A_138 : vector<16xi32> to vector<16xi32>
        tpu.vector_store %arg13[%swap3A], %swap3A_141 {strides = array<i32>} : memref<128xi32, #tpu.memory_space<vmem>>, vector<16xi32>,
      }
      %scan3A_99 = arith.constant 8 : i32
      %mul3A_100 = arith.constant 128 : i32
      %mul3A_101 = arith.muli %add3A_86, %mul3A_100 : i32
      %add3A_102 = arith.addi %mul3A_2, %mul3A_101 : i32
      %dma_wait3A_103 = arith.constant 0 : i32
      %dma_wait3A_104 = arith.constant 0 : i32
      %dma_wait3A_105 = tpu.memref_slice %arg2[%dma_wait3A_103, %dma_wait3A_104] : memref<10240x128xf32, #tpu.memory_space<hbm>> -> memref<10240x128xf32, #tpu.memory_space<hbm>>
      tpu.wait_indirect_dma semaphore(%arg25 : memref<!tpu.dma_semaphore, #tpu.memory_space<semaphore_mem>>) src(%dma_wait3A_105 : memref<10240x128xf32, #tpu.memory_space<hbm>>) dst(%arg17 : memref<128x128xf32, #tpu.memory_space<vmem>>)
      %dma_wait3A_106 = arith.constant 0 : i32
      %dma_wait3A_107 = arith.constant 0 : i32
      %dma_wait3A_108 = tpu.memref_slice %arg3[%dma_wait3A_106, %dma_wait3A_107] : memref<10240x128xf32, #tpu.memory_space<hbm>> -> memref<10240x128xf32, #tpu.memory_space<hbm>>
      tpu.wait_indirect_dma semaphore(%arg26 : memref<!tpu.dma_semaphore, #tpu.memory_space<semaphore_mem>>) src(%dma_wait3A_108 : memref<10240x128xf32, #tpu.memory_space<hbm>>) dst(%arg18 : memref<128x128xf32, #tpu.memory_space<vmem>>)
      %dma_wait3A_109 = arith.constant 0 : i32
      %dma_wait3A_110 = tpu.memref_slice %arg4[%add3A_102, %dma_wait3A_109] : memref<327680x128xf32, #tpu.memory_space<hbm>> -> memref<128x128xf32, #tpu.memory_space<hbm>>
      %dma_wait3A_111 = arith.constant 0 : i32
      %dma_wait3A_112 = tpu.memref_slice %arg4[%add3A_102, %dma_wait3A_111] : memref<327680x128xf32, #tpu.memory_space<hbm>> -> memref<128x128xf32, #tpu.memory_space<hbm>>
      tpu.wait_dma2 semaphore(%arg27 : memref<!tpu.dma_semaphore, #tpu.memory_space<semaphore_mem>>) src(%dma_wait3A_112 : memref<128x128xf32, #tpu.memory_space<hbm>>) dst(%arg19 : memref<128x128xf32, #tpu.memory_space<vmem>>)
      %add3A_113 = arith.constant 2 : i32
      %add3A_114 = arith.addi %add3A_86, %add3A_113 : i32
      %lt3A_115 = arith.constant 80 : i32
      %lt3A_116 = arith.cmpi slt, %add3A_114, %lt3A_115 : i32
      %convert_element_type3A_117 = arith.extui %lt3A_116 : i1 to i32
      %cond3A_118 = arith.constant 0 : i32
      %cond3A_119 = arith.cmpi ne, %convert_element_type3A_117, %cond3A_118 : i32
      scf.if %cond3A_119 {
        %add3A_129 = arith.constant 2 : i32
        %add3A_130 = arith.addi %add3A_86, %add3A_129 : i32
        %mul3A_131 = arith.constant 128 : i32
        %mul3A_132 = arith.muli %add3A_130, %mul3A_131 : i32
        %add3A_133 = arith.addi %mul3A_2, %mul3A_132 : i32
        %dma_start3A_134 = tpu.memref_slice %arg5[%add3A_133] : memref<327680xi32, #tpu.memory_space<hbm>> -> memref<128xi32, #tpu.memory_space<hbm>>
        %dma_start3A_135 = tpu.memref_slice %arg5[%add3A_133] : memref<327680xi32, #tpu.memory_space<hbm>> -> memref<128xi32, #tpu.memory_space<hbm>>
        tpu.enqueue_dma source(%dma_start3A_135 : memref<128xi32, #tpu.memory_space<hbm>>) target(%arg10 : memref<128xi32, #tpu.memory_space<vmem>>) target_semaphore(%arg30 : memref<!tpu.dma_semaphore, #tpu.memory_space<semaphore_mem>>)
        %dma_start3A_136 = tpu.memref_slice %arg6[%add3A_133] : memref<327680xi32, #tpu.memory_space<hbm>> -> memref<128xi32, #tpu.memory_space<hbm>>
        %dma_start3A_137 = tpu.memref_slice %arg6[%add3A_133] : memref<327680xi32, #tpu.memory_space<hbm>> -> memref<128xi32, #tpu.memory_space<hbm>>
        tpu.enqueue_dma source(%dma_start3A_137 : memref<128xi32, #tpu.memory_space<hbm>>) target(%arg11 : memref<128xi32, #tpu.memory_space<vmem>>) target_semaphore(%arg31 : memref<!tpu.dma_semaphore, #tpu.memory_space<semaphore_mem>>)
      } else {
      }
      %scan3A_120 = arith.constant 0 : i32
      %scan3A_121 = arith.constant 0 : i32
      %scan3A_122 = arith.constant 128 : i32
      %scan3A_123 = arith.addi %scan3A_121, %scan3A_122 : i32
      %scan3A_124 = arith.constant 1 : i32
      scf.for %scan3A_129 = %scan3A_121 to %scan3A_123 step %scan3A_124  : i32 {
        %get3A = arith.index_cast %scan3A_129 : i32 to index
        %get3A_130 = arith.constant 0 : index
        %get3A_131 = tpu.vector_load %arg17[%get3A, %get3A_130] {strides = array<i32>} : memref<128x128xf32, #tpu.memory_space<vmem>>, vector<1x16xf32>,
        %get3A_132 = vector.shape_cast %get3A_131 : vector<1x16xf32> to vector<16xf32>
        %get3A_133 = arith.index_cast %scan3A_129 : i32 to index
        %get3A_134 = arith.constant 0 : index
        %get3A_135 = tpu.vector_load %arg18[%get3A_133, %get3A_134] {strides = array<i32>} : memref<128x128xf32, #tpu.memory_space<vmem>>, vector<1x16xf32>,
        %get3A_136 = vector.shape_cast %get3A_135 : vector<1x16xf32> to vector<16xf32>
        %add3A_137 = arith.addf %get3A_132, %get3A_136 : vector<16xf32>
        %get3A_138 = arith.index_cast %scan3A_129 : i32 to index
        %get3A_139 = arith.constant 0 : index
        %get3A_140 = tpu.vector_load %arg19[%get3A_138, %get3A_139] {strides = array<i32>} : memref<128x128xf32, #tpu.memory_space<vmem>>, vector<1x16xf32>,
        %get3A_141 = vector.shape_cast %get3A_140 : vector<1x16xf32> to vector<16xf32>
        %add3A_142 = arith.addf %add3A_137, %get3A_141 : vector<16xf32>
        %max3A = arith.constant 0.000000e+00 : f32
        %max3A_143 = vector.broadcast %max3A : f32 to vector<16xf32>
        %max3A_144 = arith.maximumf %add3A_142, %max3A_143 : vector<16xf32>
        %swap3A = arith.index_cast %scan3A_129 : i32 to index
        %swap3A_145 = arith.constant 0 : index
        %swap3A_146 = tpu.vector_load %arg17[%swap3A, %swap3A_145] {strides = array<i32>} : memref<128x128xf32, #tpu.memory_space<vmem>>, vector<1x16xf32>,
        %swap3A_147 = vector.shape_cast %swap3A_146 : vector<1x16xf32> to vector<16xf32>
        %swap3A_148 = vector.shape_cast %max3A_144 : vector<16xf32> to vector<1x16xf32>
        tpu.vector_store %arg17[%swap3A, %swap3A_145], %swap3A_148 {strides = array<i32>} : memref<128x128xf32, #tpu.memory_space<vmem>>, vector<1x16xf32>,
        %get3A_149 = arith.index_cast %scan3A_129 : i32 to index
        %get3A_150 = arith.constant 16 : index
        %get3A_151 = tpu.vector_load %arg17[%get3A_149, %get3A_150] {strides = array<i32>} : memref<128x128xf32, #tpu.memory_space<vmem>>, vector<1x16xf32>,
        %get3A_152 = vector.shape_cast %get3A_151 : vector<1x16xf32> to vector<16xf32>
        %get3A_153 = arith.index_cast %scan3A_129 : i32 to index
        %get3A_154 = arith.constant 16 : index
        %get3A_155 = tpu.vector_load %arg18[%get3A_153, %get3A_154] {strides = array<i32>} : memref<128x128xf32, #tpu.memory_space<vmem>>, vector<1x16xf32>,
        %get3A_156 = vector.shape_cast %get3A_155 : vector<1x16xf32> to vector<16xf32>
        %add3A_157 = arith.addf %get3A_152, %get3A_156 : vector<16xf32>
        %get3A_158 = arith.index_cast %scan3A_129 : i32 to index
        %get3A_159 = arith.constant 16 : index
        %get3A_160 = tpu.vector_load %arg19[%get3A_158, %get3A_159] {strides = array<i32>} : memref<128x128xf32, #tpu.memory_space<vmem>>, vector<1x16xf32>,
        %get3A_161 = vector.shape_cast %get3A_160 : vector<1x16xf32> to vector<16xf32>
        %add3A_162 = arith.addf %add3A_157, %get3A_161 : vector<16xf32>
        %max3A_163 = arith.constant 0.000000e+00 : f32
        %max3A_164 = vector.broadcast %max3A_163 : f32 to vector<16xf32>
        %max3A_165 = arith.maximumf %add3A_162, %max3A_164 : vector<16xf32>
        %swap3A_166 = arith.index_cast %scan3A_129 : i32 to index
        %swap3A_167 = arith.constant 16 : index
        %swap3A_168 = tpu.vector_load %arg17[%swap3A_166, %swap3A_167] {strides = array<i32>} : memref<128x128xf32, #tpu.memory_space<vmem>>, vector<1x16xf32>,
        %swap3A_169 = vector.shape_cast %swap3A_168 : vector<1x16xf32> to vector<16xf32>
        %swap3A_170 = vector.shape_cast %max3A_165 : vector<16xf32> to vector<1x16xf32>
        tpu.vector_store %arg17[%swap3A_166, %swap3A_167], %swap3A_170 {strides = array<i32>} : memref<128x128xf32, #tpu.memory_space<vmem>>, vector<1x16xf32>,
        %get3A_171 = arith.index_cast %scan3A_129 : i32 to index
        %get3A_172 = arith.constant 32 : index
        %get3A_173 = tpu.vector_load %arg17[%get3A_171, %get3A_172] {strides = array<i32>} : memref<128x128xf32, #tpu.memory_space<vmem>>, vector<1x16xf32>,
        %get3A_174 = vector.shape_cast %get3A_173 : vector<1x16xf32> to vector<16xf32>
        %get3A_175 = arith.index_cast %scan3A_129 : i32 to index
        %get3A_176 = arith.constant 32 : index
        %get3A_177 = tpu.vector_load %arg18[%get3A_175, %get3A_176] {strides = array<i32>} : memref<128x128xf32, #tpu.memory_space<vmem>>, vector<1x16xf32>,
        %get3A_178 = vector.shape_cast %get3A_177 : vector<1x16xf32> to vector<16xf32>
        %add3A_179 = arith.addf %get3A_174, %get3A_178 : vector<16xf32>
        %get3A_180 = arith.index_cast %scan3A_129 : i32 to index
        %get3A_181 = arith.constant 32 : index
        %get3A_182 = tpu.vector_load %arg19[%get3A_180, %get3A_181] {strides = array<i32>} : memref<128x128xf32, #tpu.memory_space<vmem>>, vector<1x16xf32>,
        %get3A_183 = vector.shape_cast %get3A_182 : vector<1x16xf32> to vector<16xf32>
        %add3A_184 = arith.addf %add3A_179, %get3A_183 : vector<16xf32>
        %max3A_185 = arith.constant 0.000000e+00 : f32
        %max3A_186 = vector.broadcast %max3A_185 : f32 to vector<16xf32>
        %max3A_187 = arith.maximumf %add3A_184, %max3A_186 : vector<16xf32>
        %swap3A_188 = arith.index_cast %scan3A_129 : i32 to index
        %swap3A_189 = arith.constant 32 : index
        %swap3A_190 = tpu.vector_load %arg17[%swap3A_188, %swap3A_189] {strides = array<i32>} : memref<128x128xf32, #tpu.memory_space<vmem>>, vector<1x16xf32>,
        %swap3A_191 = vector.shape_cast %swap3A_190 : vector<1x16xf32> to vector<16xf32>
        %swap3A_192 = vector.shape_cast %max3A_187 : vector<16xf32> to vector<1x16xf32>
        tpu.vector_store %arg17[%swap3A_188, %swap3A_189], %swap3A_192 {strides = array<i32>} : memref<128x128xf32, #tpu.memory_space<vmem>>, vector<1x16xf32>,
        %get3A_193 = arith.index_cast %scan3A_129 : i32 to index
        %get3A_194 = arith.constant 48 : index
        %get3A_195 = tpu.vector_load %arg17[%get3A_193, %get3A_194] {strides = array<i32>} : memref<128x128xf32, #tpu.memory_space<vmem>>, vector<1x16xf32>,
        %get3A_196 = vector.shape_cast %get3A_195 : vector<1x16xf32> to vector<16xf32>
        %get3A_197 = arith.index_cast %scan3A_129 : i32 to index
        %get3A_198 = arith.constant 48 : index
        %get3A_199 = tpu.vector_load %arg18[%get3A_197, %get3A_198] {strides = array<i32>} : memref<128x128xf32, #tpu.memory_space<vmem>>, vector<1x16xf32>,
        %get3A_200 = vector.shape_cast %get3A_199 : vector<1x16xf32> to vector<16xf32>
        %add3A_201 = arith.addf %get3A_196, %get3A_200 : vector<16xf32>
        %get3A_202 = arith.index_cast %scan3A_129 : i32 to index
        %get3A_203 = arith.constant 48 : index
        %get3A_204 = tpu.vector_load %arg19[%get3A_202, %get3A_203] {strides = array<i32>} : memref<128x128xf32, #tpu.memory_space<vmem>>, vector<1x16xf32>,
        %get3A_205 = vector.shape_cast %get3A_204 : vector<1x16xf32> to vector<16xf32>
        %add3A_206 = arith.addf %add3A_201, %get3A_205 : vector<16xf32>
        %max3A_207 = arith.constant 0.000000e+00 : f32
        %max3A_208 = vector.broadcast %max3A_207 : f32 to vector<16xf32>
        %max3A_209 = arith.maximumf %add3A_206, %max3A_208 : vector<16xf32>
        %swap3A_210 = arith.index_cast %scan3A_129 : i32 to index
        %swap3A_211 = arith.constant 48 : index
        %swap3A_212 = tpu.vector_load %arg17[%swap3A_210, %swap3A_211] {strides = array<i32>} : memref<128x128xf32, #tpu.memory_space<vmem>>, vector<1x16xf32>,
        %swap3A_213 = vector.shape_cast %swap3A_212 : vector<1x16xf32> to vector<16xf32>
        %swap3A_214 = vector.shape_cast %max3A_209 : vector<16xf32> to vector<1x16xf32>
        tpu.vector_store %arg17[%swap3A_210, %swap3A_211], %swap3A_214 {strides = array<i32>} : memref<128x128xf32, #tpu.memory_space<vmem>>, vector<1x16xf32>,
        %get3A_215 = arith.index_cast %scan3A_129 : i32 to index
        %get3A_216 = arith.constant 64 : index
        %get3A_217 = tpu.vector_load %arg17[%get3A_215, %get3A_216] {strides = array<i32>} : memref<128x128xf32, #tpu.memory_space<vmem>>, vector<1x16xf32>,
        %get3A_218 = vector.shape_cast %get3A_217 : vector<1x16xf32> to vector<16xf32>
        %get3A_219 = arith.index_cast %scan3A_129 : i32 to index
        %get3A_220 = arith.constant 64 : index
        %get3A_221 = tpu.vector_load %arg18[%get3A_219, %get3A_220] {strides = array<i32>} : memref<128x128xf32, #tpu.memory_space<vmem>>, vector<1x16xf32>,
        %get3A_222 = vector.shape_cast %get3A_221 : vector<1x16xf32> to vector<16xf32>
        %add3A_223 = arith.addf %get3A_218, %get3A_222 : vector<16xf32>
        %get3A_224 = arith.index_cast %scan3A_129 : i32 to index
        %get3A_225 = arith.constant 64 : index
        %get3A_226 = tpu.vector_load %arg19[%get3A_224, %get3A_225] {strides = array<i32>} : memref<128x128xf32, #tpu.memory_space<vmem>>, vector<1x16xf32>,
        %get3A_227 = vector.shape_cast %get3A_226 : vector<1x16xf32> to vector<16xf32>
        %add3A_228 = arith.addf %add3A_223, %get3A_227 : vector<16xf32>
        %max3A_229 = arith.constant 0.000000e+00 : f32
        %max3A_230 = vector.broadcast %max3A_229 : f32 to vector<16xf32>
        %max3A_231 = arith.maximumf %add3A_228, %max3A_230 : vector<16xf32>
        %swap3A_232 = arith.index_cast %scan3A_129 : i32 to index
        %swap3A_233 = arith.constant 64 : index
        %swap3A_234 = tpu.vector_load %arg17[%swap3A_232, %swap3A_233] {strides = array<i32>} : memref<128x128xf32, #tpu.memory_space<vmem>>, vector<1x16xf32>,
        %swap3A_235 = vector.shape_cast %swap3A_234 : vector<1x16xf32> to vector<16xf32>
        %swap3A_236 = vector.shape_cast %max3A_231 : vector<16xf32> to vector<1x16xf32>
        tpu.vector_store %arg17[%swap3A_232, %swap3A_233], %swap3A_236 {strides = array<i32>} : memref<128x128xf32, #tpu.memory_space<vmem>>, vector<1x16xf32>,
        %get3A_237 = arith.index_cast %scan3A_129 : i32 to index
        %get3A_238 = arith.constant 80 : index
        %get3A_239 = tpu.vector_load %arg17[%get3A_237, %get3A_238] {strides = array<i32>} : memref<128x128xf32, #tpu.memory_space<vmem>>, vector<1x16xf32>,
        %get3A_240 = vector.shape_cast %get3A_239 : vector<1x16xf32> to vector<16xf32>
        %get3A_241 = arith.index_cast %scan3A_129 : i32 to index
        %get3A_242 = arith.constant 80 : index
        %get3A_243 = tpu.vector_load %arg18[%get3A_241, %get3A_242] {strides = array<i32>} : memref<128x128xf32, #tpu.memory_space<vmem>>, vector<1x16xf32>,
        %get3A_244 = vector.shape_cast %get3A_243 : vector<1x16xf32> to vector<16xf32>
        %add3A_245 = arith.addf %get3A_240, %get3A_244 : vector<16xf32>
        %get3A_246 = arith.index_cast %scan3A_129 : i32 to index
        %get3A_247 = arith.constant 80 : index
        %get3A_248 = tpu.vector_load %arg19[%get3A_246, %get3A_247] {strides = array<i32>} : memref<128x128xf32, #tpu.memory_space<vmem>>, vector<1x16xf32>,
        %get3A_249 = vector.shape_cast %get3A_248 : vector<1x16xf32> to vector<16xf32>
        %add3A_250 = arith.addf %add3A_245, %get3A_249 : vector<16xf32>
        %max3A_251 = arith.constant 0.000000e+00 : f32
        %max3A_252 = vector.broadcast %max3A_251 : f32 to vector<16xf32>
        %max3A_253 = arith.maximumf %add3A_250, %max3A_252 : vector<16xf32>
        %swap3A_254 = arith.index_cast %scan3A_129 : i32 to index
        %swap3A_255 = arith.constant 80 : index
        %swap3A_256 = tpu.vector_load %arg17[%swap3A_254, %swap3A_255] {strides = array<i32>} : memref<128x128xf32, #tpu.memory_space<vmem>>, vector<1x16xf32>,
        %swap3A_257 = vector.shape_cast %swap3A_256 : vector<1x16xf32> to vector<16xf32>
        %swap3A_258 = vector.shape_cast %max3A_253 : vector<16xf32> to vector<1x16xf32>
        tpu.vector_store %arg17[%swap3A_254, %swap3A_255], %swap3A_258 {strides = array<i32>} : memref<128x128xf32, #tpu.memory_space<vmem>>, vector<1x16xf32>,
        %get3A_259 = arith.index_cast %scan3A_129 : i32 to index
        %get3A_260 = arith.constant 96 : index
        %get3A_261 = tpu.vector_load %arg17[%get3A_259, %get3A_260] {strides = array<i32>} : memref<128x128xf32, #tpu.memory_space<vmem>>, vector<1x16xf32>,
        %get3A_262 = vector.shape_cast %get3A_261 : vector<1x16xf32> to vector<16xf32>
        %get3A_263 = arith.index_cast %scan3A_129 : i32 to index
        %get3A_264 = arith.constant 96 : index
        %get3A_265 = tpu.vector_load %arg18[%get3A_263, %get3A_264] {strides = array<i32>} : memref<128x128xf32, #tpu.memory_space<vmem>>, vector<1x16xf32>,
        %get3A_266 = vector.shape_cast %get3A_265 : vector<1x16xf32> to vector<16xf32>
        %add3A_267 = arith.addf %get3A_262, %get3A_266 : vector<16xf32>
        %get3A_268 = arith.index_cast %scan3A_129 : i32 to index
        %get3A_269 = arith.constant 96 : index
        %get3A_270 = tpu.vector_load %arg19[%get3A_268, %get3A_269] {strides = array<i32>} : memref<128x128xf32, #tpu.memory_space<vmem>>, vector<1x16xf32>,
        %get3A_271 = vector.shape_cast %get3A_270 : vector<1x16xf32> to vector<16xf32>
        %add3A_272 = arith.addf %add3A_267, %get3A_271 : vector<16xf32>
        %max3A_273 = arith.constant 0.000000e+00 : f32
        %max3A_274 = vector.broadcast %max3A_273 : f32 to vector<16xf32>
        %max3A_275 = arith.maximumf %add3A_272, %max3A_274 : vector<16xf32>
        %swap3A_276 = arith.index_cast %scan3A_129 : i32 to index
        %swap3A_277 = arith.constant 96 : index
        %swap3A_278 = tpu.vector_load %arg17[%swap3A_276, %swap3A_277] {strides = array<i32>} : memref<128x128xf32, #tpu.memory_space<vmem>>, vector<1x16xf32>,
        %swap3A_279 = vector.shape_cast %swap3A_278 : vector<1x16xf32> to vector<16xf32>
        %swap3A_280 = vector.shape_cast %max3A_275 : vector<16xf32> to vector<1x16xf32>
        tpu.vector_store %arg17[%swap3A_276, %swap3A_277], %swap3A_280 {strides = array<i32>} : memref<128x128xf32, #tpu.memory_space<vmem>>, vector<1x16xf32>,
        %get3A_281 = arith.index_cast %scan3A_129 : i32 to index
        %get3A_282 = arith.constant 112 : index
        %get3A_283 = tpu.vector_load %arg17[%get3A_281, %get3A_282] {strides = array<i32>} : memref<128x128xf32, #tpu.memory_space<vmem>>, vector<1x16xf32>,
        %get3A_284 = vector.shape_cast %get3A_283 : vector<1x16xf32> to vector<16xf32>
        %get3A_285 = arith.index_cast %scan3A_129 : i32 to index
        %get3A_286 = arith.constant 112 : index
        %get3A_287 = tpu.vector_load %arg18[%get3A_285, %get3A_286] {strides = array<i32>} : memref<128x128xf32, #tpu.memory_space<vmem>>, vector<1x16xf32>,
        %get3A_288 = vector.shape_cast %get3A_287 : vector<1x16xf32> to vector<16xf32>
        %add3A_289 = arith.addf %get3A_284, %get3A_288 : vector<16xf32>
        %get3A_290 = arith.index_cast %scan3A_129 : i32 to index
        %get3A_291 = arith.constant 112 : index
        %get3A_292 = tpu.vector_load %arg19[%get3A_290, %get3A_291] {strides = array<i32>} : memref<128x128xf32, #tpu.memory_space<vmem>>, vector<1x16xf32>,
        %get3A_293 = vector.shape_cast %get3A_292 : vector<1x16xf32> to vector<16xf32>
        %add3A_294 = arith.addf %add3A_289, %get3A_293 : vector<16xf32>
        %max3A_295 = arith.constant 0.000000e+00 : f32
        %max3A_296 = vector.broadcast %max3A_295 : f32 to vector<16xf32>
        %max3A_297 = arith.maximumf %add3A_294, %max3A_296 : vector<16xf32>
        %swap3A_298 = arith.index_cast %scan3A_129 : i32 to index
        %swap3A_299 = arith.constant 112 : index
        %swap3A_300 = tpu.vector_load %arg17[%swap3A_298, %swap3A_299] {strides = array<i32>} : memref<128x128xf32, #tpu.memory_space<vmem>>, vector<1x16xf32>,
        %swap3A_301 = vector.shape_cast %swap3A_300 : vector<1x16xf32> to vector<16xf32>
        %swap3A_302 = vector.shape_cast %max3A_297 : vector<16xf32> to vector<1x16xf32>
        tpu.vector_store %arg17[%swap3A_298, %swap3A_299], %swap3A_302 {strides = array<i32>} : memref<128x128xf32, #tpu.memory_space<vmem>>, vector<1x16xf32>,
      }
      %scan3A_125 = arith.constant 128 : i32
      %dma_start3A_126 = arith.constant 0 : i32
      %dma_start3A_127 = arith.constant 0 : i32
      %dma_start3A_128 = tpu.memref_slice %arg21[%dma_start3A_126, %dma_start3A_127] : memref<104x128xf32, #tpu.memory_space<vmem_shared>> -> memref<104x128xf32, #tpu.memory_space<vmem_shared>>
      tpu.enqueue_indirect_dma source(%arg17 : memref<128x128xf32, #tpu.memory_space<vmem>>) target(%dma_start3A_128 : memref<104x128xf32, #tpu.memory_space<vmem_shared>>) offsets(%arg13 : memref<128xi32, #tpu.memory_space<vmem>>) semaphore(%arg33 : memref<!tpu.dma_semaphore, #tpu.memory_space<semaphore_mem>>) {add = true}
    }
    %scan3A_27 = arith.constant 40 : i32
    %dma_wait3A = arith.constant 0 : i32
    %dma_wait3A_28 = arith.constant 0 : i32
    %dma_wait3A_29 = tpu.memref_slice %arg21[%dma_wait3A, %dma_wait3A_28] : memref<104x128xf32, #tpu.memory_space<vmem_shared>> -> memref<104x128xf32, #tpu.memory_space<vmem_shared>>
    tpu.wait_indirect_dma semaphore(%arg32 : memref<!tpu.dma_semaphore, #tpu.memory_space<semaphore_mem>>) src(%arg14 : memref<128x128xf32, #tpu.memory_space<vmem>>) dst(%dma_wait3A_29 : memref<104x128xf32, #tpu.memory_space<vmem_shared>>)
    %dma_wait3A_30 = arith.constant 0 : i32
    %dma_wait3A_31 = arith.constant 0 : i32
    %dma_wait3A_32 = tpu.memref_slice %arg21[%dma_wait3A_30, %dma_wait3A_31] : memref<104x128xf32, #tpu.memory_space<vmem_shared>> -> memref<104x128xf32, #tpu.memory_space<vmem_shared>>
    tpu.wait_indirect_dma semaphore(%arg33 : memref<!tpu.dma_semaphore, #tpu.memory_space<semaphore_mem>>) src(%arg17 : memref<128x128xf32, #tpu.memory_space<vmem>>) dst(%dma_wait3A_32 : memref<104x128xf32, #tpu.memory_space<vmem_shared>>)
    %barrier3A_33 = arith.constant 0 : index
    tpu.barrier barrier_id(%barrier3A_33)
    %eq3A_34 = arith.constant 0 : i32
    %eq3A_35 = arith.cmpi eq, %arg1, %eq3A_34 : i32
    %convert_element_type3A_36 = arith.extui %eq3A_35 : i1 to i32
    %cond3A_37 = arith.constant 0 : i32
    %cond3A_38 = arith.cmpi ne, %convert_element_type3A_36, %cond3A_37 : i32
    scf.if %cond3A_38 {
      "tpu.region"() ({
        %run_scoped3A = tpu.sem_alloc : memref<!tpu.dma_semaphore, #tpu.memory_space<semaphore_mem>>
        %dma_start3A_39 = arith.constant 0 : i32
        %dma_start3A_40 = arith.constant 0 : i32
        %dma_start3A_41 = tpu.memref_slice %arg7[%arg0, %dma_start3A_39, %dma_start3A_40] : memref<2x104x128xf32, #tpu.memory_space<hbm>> -> memref<1x104x128xf32, #tpu.memory_space<hbm>>
        %dma_start3A_42 = tpu.memref_squeeze %dma_start3A_41 : memref<1x104x128xf32, #tpu.memory_space<hbm>> -> memref<104x128xf32, #tpu.memory_space<hbm>>
        tpu.enqueue_dma source(%arg21 : memref<104x128xf32, #tpu.memory_space<vmem_shared>>) target(%dma_start3A_42 : memref<104x128xf32, #tpu.memory_space<hbm>>) target_semaphore(%run_scoped3A : memref<!tpu.dma_semaphore, #tpu.memory_space<semaphore_mem>>)
        %dma_wait3A_43 = arith.constant 0 : i32
        %dma_wait3A_44 = arith.constant 0 : i32
        %dma_wait3A_45 = tpu.memref_slice %arg7[%arg0, %dma_wait3A_43, %dma_wait3A_44] : memref<2x104x128xf32, #tpu.memory_space<hbm>> -> memref<1x104x128xf32, #tpu.memory_space<hbm>>
        %dma_wait3A_46 = tpu.memref_squeeze %dma_wait3A_45 : memref<1x104x128xf32, #tpu.memory_space<hbm>> -> memref<104x128xf32, #tpu.memory_space<hbm>>
        tpu.wait_dma2 semaphore(%run_scoped3A : memref<!tpu.dma_semaphore, #tpu.memory_space<semaphore_mem>>) src(%arg21 : memref<104x128xf32, #tpu.memory_space<vmem_shared>>) dst(%dma_wait3A_46 : memref<104x128xf32, #tpu.memory_space<hbm>>)
        tpu.yield
      }) : () -> ()
    } else {
    }
    return
  }
}

module attributes {stable_mosaic.version = 14 : i64} {
  func.func @_t1_body(%arg0: i32, %arg1: memref<1024x128xbf16, #tpu.memory_space<vmem>>, %arg2: memref<128x128xbf16, #tpu.memory_space<vmem>>, %arg3: memref<128x128xbf16, #tpu.memory_space<vmem>>, %arg4: memref<1024x128xf32, #tpu.memory_space<vmem>>, %arg5: memref<1024x128xf32, #tpu.memory_space<vmem>>) attributes {dimension_semantics = [#tpu.dimension_semantics<arbitrary>], iteration_bounds = array<i64: 10>, scalar_prefetch = 0 : i64, scratch_operands = 0 : i64, tpu.core_type = #tpu.core_type<tc>, window_params = [{transform_indices = @transform_0, window_bounds = array<i64: 1024, 128>}, {pipeline_mode = #tpu.pipeline_mode<synchronous>, transform_indices = @transform_1, window_bounds = array<i64: 128, 128>}, {pipeline_mode = #tpu.pipeline_mode<synchronous>, transform_indices = @transform_2, window_bounds = array<i64: 128, 128>}, {transform_indices = @transform_3, window_bounds = array<i64: 1024, 128>}, {transform_indices = @transform_4, window_bounds = array<i64: 1024, 128>}]} {
    %get3A = arith.constant 0 : index
    %get3A_0 = arith.constant 0 : index
    %get3A_1 = vector.load %arg1[%get3A, %get3A_0] : memref<1024x128xbf16, #tpu.memory_space<vmem>>, vector<1024x128xbf16>
    %get3A_2 = arith.constant 0 : index
    %get3A_3 = arith.constant 0 : index
    %get3A_4 = vector.load %arg2[%get3A_2, %get3A_3] : memref<128x128xbf16, #tpu.memory_space<vmem>>, vector<128x128xbf16>
    %dot_general3A = arith.constant dense<0.000000e+00> : vector<1024x128xf32>
    %dot_general3A_5 = tpu.matmul %get3A_1, %get3A_4, %dot_general3A {dimension_numbers = #tpu.dot_dimension_numbers<[1], [1], [0], [0], [0, 0, 1, 0], [], []>, transpose_lhs_hint = false} : vector<1024x128xbf16>, vector<128x128xbf16>, vector<1024x128xf32> -> vector<1024x128xf32>
    %swap3A = arith.constant 0 : index
    %swap3A_6 = arith.constant 0 : index
    %swap3A_7 = vector.load %arg4[%swap3A, %swap3A_6] : memref<1024x128xf32, #tpu.memory_space<vmem>>, vector<1024x128xf32>
    tpu.vector_store %arg4[%swap3A, %swap3A_6], %dot_general3A_5 {strides = array<i32>} : memref<1024x128xf32, #tpu.memory_space<vmem>>, vector<1024x128xf32>,
    %get3A_8 = arith.constant 0 : index
    %get3A_9 = arith.constant 0 : index
    %get3A_10 = vector.load %arg3[%get3A_8, %get3A_9] : memref<128x128xbf16, #tpu.memory_space<vmem>>, vector<128x128xbf16>
    %dot_general3A_11 = arith.constant dense<0.000000e+00> : vector<1024x128xf32>
    %dot_general3A_12 = tpu.matmul %get3A_1, %get3A_10, %dot_general3A_11 {dimension_numbers = #tpu.dot_dimension_numbers<[1], [1], [0], [0], [0, 0, 1, 0], [], []>, transpose_lhs_hint = false} : vector<1024x128xbf16>, vector<128x128xbf16>, vector<1024x128xf32> -> vector<1024x128xf32>
    %swap3A_13 = arith.constant 0 : index
    %swap3A_14 = arith.constant 0 : index
    %swap3A_15 = vector.load %arg5[%swap3A_13, %swap3A_14] : memref<1024x128xf32, #tpu.memory_space<vmem>>, vector<1024x128xf32>
    tpu.vector_store %arg5[%swap3A_13, %swap3A_14], %dot_general3A_12 {strides = array<i32>} : memref<1024x128xf32, #tpu.memory_space<vmem>>, vector<1024x128xf32>,
    return
  }
  func.func @transform_0(%arg0: i32) -> (i32, i32) {
    %c0_i32 = arith.constant 0 : i32
    %c0_i32_0 = arith.constant 0 : i32
    return %arg0, %c0_i32 : i32, i32
  }
  func.func @transform_1(%arg0: i32) -> (i32, i32) {
    %c0_i32 = arith.constant 0 : i32
    %c0_i32_0 = arith.constant 0 : i32
    %c0_i32_1 = arith.constant 0 : i32
    return %c0_i32, %c0_i32_0 : i32, i32
  }
  func.func @transform_2(%arg0: i32) -> (i32, i32) {
    %c0_i32 = arith.constant 0 : i32
    %c0_i32_0 = arith.constant 0 : i32
    %c0_i32_1 = arith.constant 0 : i32
    return %c0_i32, %c0_i32_0 : i32, i32
  }
  func.func @transform_3(%arg0: i32) -> (i32, i32) {
    %c0_i32 = arith.constant 0 : i32
    %c0_i32_0 = arith.constant 0 : i32
    return %arg0, %c0_i32 : i32, i32
  }
  func.func @transform_4(%arg0: i32) -> (i32, i32) {
    %c0_i32 = arith.constant 0 : i32
    %c0_i32_0 = arith.constant 0 : i32
    return %arg0, %c0_i32 : i32, i32
  }
}

module attributes {stable_mosaic.version = 14 : i64} {
  func.func @_t2_body(%arg0: i32, %arg1: memref<1024x16xbf16, #tpu.memory_space<vmem>>, %arg2: memref<128x16xbf16, #tpu.memory_space<vmem>>, %arg3: memref<1x128xf32, #tpu.memory_space<vmem>>, %arg4: memref<8x128xi32, #tpu.memory_space<vmem>>, %arg5: memref<1024x128xf32, #tpu.memory_space<vmem>>, %arg6: memref<128x1xf32, #tpu.memory_space<vmem>>) attributes {dimension_semantics = [#tpu.dimension_semantics<arbitrary>], iteration_bounds = array<i64: 320>, scalar_prefetch = 0 : i64, scratch_operands = 0 : i64, tpu.core_type = #tpu.core_type<tc>, window_params = [{transform_indices = @transform_0, window_bounds = array<i64: 1024, 16>}, {pipeline_mode = #tpu.pipeline_mode<synchronous>, transform_indices = @transform_1, window_bounds = array<i64: 128, 16>}, {pipeline_mode = #tpu.pipeline_mode<synchronous>, transform_indices = @transform_2, window_bounds = array<i64: 1, 128>}, {transform_indices = @transform_3, window_bounds = array<i64: 8, 128>}, {transform_indices = @transform_4, window_bounds = array<i64: 1024, 128>}, {pipeline_mode = #tpu.pipeline_mode<synchronous>, transform_indices = @transform_5, window_bounds = array<i64: 128, 1>}]} {
    %get3A = arith.constant 0 : index
    %get3A_0 = arith.constant 0 : index
    %get3A_1 = vector.load %arg1[%get3A, %get3A_0] : memref<1024x16xbf16, #tpu.memory_space<vmem>>, vector<1024x16xbf16>
    %get3A_2 = arith.constant 0 : index
    %get3A_3 = arith.constant 0 : index
    %get3A_4 = vector.load %arg2[%get3A_2, %get3A_3] : memref<128x16xbf16, #tpu.memory_space<vmem>>, vector<128x16xbf16>
    %dot_general3A = arith.constant dense<0.000000e+00> : vector<1024x128xf32>
    %dot_general3A_5 = tpu.matmul %get3A_1, %get3A_4, %dot_general3A {dimension_numbers = #tpu.dot_dimension_numbers<[1], [1], [0], [0], [0, 0, 1, 0], [], []>, transpose_lhs_hint = false} : vector<1024x16xbf16>, vector<128x16xbf16>, vector<1024x128xf32> -> vector<1024x128xf32>
    %get3A_6 = arith.constant 0 : index
    %get3A_7 = arith.constant 0 : index
    %get3A_8 = vector.load %arg3[%get3A_6, %get3A_7] : memref<1x128xf32, #tpu.memory_space<vmem>>, vector<1x128xf32>
    %add3A = vector.broadcast %get3A_8 : vector<1x128xf32> to vector<1024x128xf32>
    %add3A_9 = arith.addf %dot_general3A_5, %add3A : vector<1024x128xf32>
    %swap3A = arith.constant 0 : index
    %swap3A_10 = arith.constant 0 : index
    %swap3A_11 = vector.load %arg5[%swap3A, %swap3A_10] : memref<1024x128xf32, #tpu.memory_space<vmem>>, vector<1024x128xf32>
    tpu.vector_store %arg5[%swap3A, %swap3A_10], %add3A_9 {strides = array<i32>} : memref<1024x128xf32, #tpu.memory_space<vmem>>, vector<1024x128xf32>,
    %get3A_12 = arith.constant 0 : index
    %get3A_13 = arith.constant 0 : index
    %get3A_14 = vector.load %arg4[%get3A_12, %get3A_13] : memref<8x128xi32, #tpu.memory_space<vmem>>, vector<8x128xi32>
    %convert_element_type3A = arith.sitofp %get3A_14 : vector<8x128xi32> to vector<8x128xf32>
    %add3A_15 = arith.constant 5.000000e-01 : f32
    %add3A_16 = vector.broadcast %add3A_15 : f32 to vector<8x128xf32>
    %add3A_17 = arith.addf %convert_element_type3A, %add3A_16 : vector<8x128xf32>
    %mul3A = arith.constant 0.00999999977 : f32
    %mul3A_18 = vector.broadcast %mul3A : f32 to vector<8x128xf32>
    %mul3A_19 = arith.mulf %add3A_17, %mul3A_18 : vector<8x128xf32>
    %floor3A = math.floor %mul3A_19 : vector<8x128xf32>
    %convert_element_type3A_20 = arith.fptosi %floor3A : vector<8x128xf32> to vector<8x128xi32>
    %iota3A = tpu.iota {dimensions = array<i32: 0>} : vector<128x8x128xi32>
    %broadcast_in_dim3A = vector.shape_cast %convert_element_type3A_20 : vector<8x128xi32> to vector<1x8x128xi32>
    %eq3A = vector.broadcast %broadcast_in_dim3A : vector<1x8x128xi32> to vector<128x8x128xi32>
    %eq3A_21 = arith.cmpi eq, %iota3A, %eq3A : vector<128x8x128xi32>
    %convert_element_type3A_22 = arith.extui %eq3A_21 : vector<128x8x128xi1> to vector<128x8x128xi32>
    %convert_element_type3A_23 = arith.sitofp %convert_element_type3A_22 : vector<128x8x128xi32> to vector<128x8x128xf32>
    %reduce_sum3A = arith.constant dense<0.000000e+00> : vector<128xf32>
    %reduce_sum3A_24 = vector.multi_reduction <add>, %convert_element_type3A_23, %reduce_sum3A [1, 2] : vector<128x8x128xf32> to vector<128xf32>
    %reshape3A = vector.shape_cast %reduce_sum3A_24 : vector<128xf32> to vector<128x1xf32>
    %eq3A_25 = arith.constant 0 : i32
    %eq3A_26 = arith.cmpi eq, %arg0, %eq3A_25 : i32
    %convert_element_type3A_27 = arith.extui %eq3A_26 : i1 to i32
    %cond3A = arith.constant 0 : i32
    %cond3A_28 = arith.cmpi ne, %convert_element_type3A_27, %cond3A : i32
    scf.if %cond3A_28 {
      %swap3A_33 = arith.constant 0 : index
      %swap3A_34 = arith.constant 0 : index
      %swap3A_35 = vector.load %arg6[%swap3A_33, %swap3A_34] : memref<128x1xf32, #tpu.memory_space<vmem>>, vector<128x1xf32>
      tpu.vector_store %arg6[%swap3A_33, %swap3A_34], %reshape3A {strides = array<i32>} : memref<128x1xf32, #tpu.memory_space<vmem>>, vector<128x1xf32>,
    } else {
    }
    %ne3A = arith.constant 0 : i32
    %ne3A_29 = arith.cmpi ne, %arg0, %ne3A : i32
    %convert_element_type3A_30 = arith.extui %ne3A_29 : i1 to i32
    %cond3A_31 = arith.constant 0 : i32
    %cond3A_32 = arith.cmpi ne, %convert_element_type3A_30, %cond3A_31 : i32
    scf.if %cond3A_32 {
      %get3A_33 = arith.constant 0 : index
      %get3A_34 = arith.constant 0 : index
      %get3A_35 = vector.load %arg6[%get3A_33, %get3A_34] : memref<128x1xf32, #tpu.memory_space<vmem>>, vector<128x1xf32>
      %add3A_36 = arith.addf %get3A_35, %reshape3A : vector<128x1xf32>
      %swap3A_37 = arith.constant 0 : index
      %swap3A_38 = arith.constant 0 : index
      %swap3A_39 = vector.load %arg6[%swap3A_37, %swap3A_38] : memref<128x1xf32, #tpu.memory_space<vmem>>, vector<128x1xf32>
      tpu.vector_store %arg6[%swap3A_37, %swap3A_38], %add3A_36 {strides = array<i32>} : memref<128x1xf32, #tpu.memory_space<vmem>>, vector<128x1xf32>,
    } else {
    }
    return
  }
  func.func @transform_0(%arg0: i32) -> (i32, i32) {
    %c0_i32 = arith.constant 0 : i32
    %c0_i32_0 = arith.constant 0 : i32
    return %arg0, %c0_i32 : i32, i32
  }
  func.func @transform_1(%arg0: i32) -> (i32, i32) {
    %c0_i32 = arith.constant 0 : i32
    %c0_i32_0 = arith.constant 0 : i32
    %c0_i32_1 = arith.constant 0 : i32
    return %c0_i32, %c0_i32_0 : i32, i32
  }
  func.func @transform_2(%arg0: i32) -> (i32, i32) {
    %c0_i32 = arith.constant 0 : i32
    %c0_i32_0 = arith.constant 0 : i32
    %c0_i32_1 = arith.constant 0 : i32
    return %c0_i32, %c0_i32_0 : i32, i32
  }
  func.func @transform_3(%arg0: i32) -> (i32, i32) {
    %c0_i32 = arith.constant 0 : i32
    %c0_i32_0 = arith.constant 0 : i32
    return %arg0, %c0_i32 : i32, i32
  }
  func.func @transform_4(%arg0: i32) -> (i32, i32) {
    %c0_i32 = arith.constant 0 : i32
    %c0_i32_0 = arith.constant 0 : i32
    return %arg0, %c0_i32 : i32, i32
  }
  func.func @transform_5(%arg0: i32) -> (i32, i32) {
    %c0_i32 = arith.constant 0 : i32
    %c0_i32_0 = arith.constant 0 : i32
    %c0_i32_1 = arith.constant 0 : i32
    return %c0_i32, %c0_i32_0 : i32, i32
  }
}

module attributes {stable_mosaic.version = 14 : i64} {
  func.func @_t4_body(%arg0: memref<2x104x128xf32, #tpu.memory_space<vmem>>, %arg1: memref<128x1xf32, #tpu.memory_space<vmem>>, %arg2: memref<100x100x128xf32, #tpu.memory_space<vmem>>, %arg3: memref<128x128xf32, #tpu.memory_space<vmem>>, %arg4: memref<1x128xf32, #tpu.memory_space<vmem>>, %arg5: memref<128x128xf32, #tpu.memory_space<vmem>>, %arg6: memref<128x128xf32, #tpu.memory_space<vmem>>, %arg7: memref<1x128xf32, #tpu.memory_space<vmem>>, %arg8: memref<8x128xf32, #tpu.memory_space<vmem>>, %arg9: memref<1x1xf32, #tpu.memory_space<smem>>, %arg10: memref<100x8xf32, #tpu.memory_space<vmem>>) attributes {dimension_semantics = [], scalar_prefetch = 0 : i64, scratch_operands = 0 : i64, tpu.core_type = #tpu.core_type<tc>} {
    %get3A = arith.constant 0 : index
    %get3A_0 = arith.constant 0 : index
    %get3A_1 = arith.constant 0 : index
    %get3A_2 = vector.load %arg0[%get3A, %get3A_0, %get3A_1] : memref<2x104x128xf32, #tpu.memory_space<vmem>>, vector<2x104x128xf32>
    %reduce_sum3A = arith.constant dense<0.000000e+00> : vector<104x128xf32>
    %reduce_sum3A_3 = vector.multi_reduction <add>, %get3A_2, %reduce_sum3A [0] : vector<2x104x128xf32> to vector<104x128xf32>
    %slice3A = vector.extract_strided_slice %reduce_sum3A_3 {offsets = [0, 0], sizes = [100, 128], strides = [1, 1]} : vector<104x128xf32> to vector<100x128xf32>
    %get3A_4 = arith.constant 0 : index
    %get3A_5 = arith.constant 0 : index
    %get3A_6 = vector.load %arg1[%get3A_4, %get3A_5] : memref<128x1xf32, #tpu.memory_space<vmem>>, vector<128x1xf32>
    %slice3A_7 = vector.extract_strided_slice %get3A_6 {offsets = [0, 0], sizes = [100, 1], strides = [1, 1]} : vector<128x1xf32> to vector<100x1xf32>
    %get3A_8 = arith.constant 0 : index
    %get3A_9 = arith.constant 0 : index
    %get3A_10 = vector.load %arg3[%get3A_8, %get3A_9] : memref<128x128xf32, #tpu.memory_space<vmem>>, vector<128x128xf32>
    %dot_general3A = arith.constant dense<0.000000e+00> : vector<100x128xf32>
    %dot_general3A_11 = tpu.matmul %slice3A, %get3A_10, %dot_general3A {dimension_numbers = #tpu.dot_dimension_numbers<[1], [1], [0], [0], [0, 0, 1, 0], [], []>, transpose_lhs_hint = false} : vector<100x128xf32>, vector<128x128xf32>, vector<100x128xf32> -> vector<100x128xf32>
    %get3A_12 = arith.constant 0 : index
    %get3A_13 = arith.constant 0 : index
    %get3A_14 = vector.load %arg4[%get3A_12, %get3A_13] : memref<1x128xf32, #tpu.memory_space<vmem>>, vector<1x128xf32>
    %mul3A = vector.broadcast %slice3A_7 : vector<100x1xf32> to vector<100x128xf32>
    %mul3A_15 = vector.broadcast %get3A_14 : vector<1x128xf32> to vector<100x128xf32>
    %mul3A_16 = arith.mulf %mul3A, %mul3A_15 : vector<100x128xf32>
    %add3A = arith.addf %dot_general3A_11, %mul3A_16 : vector<100x128xf32>
    %get3A_17 = arith.constant 0 : index
    %get3A_18 = arith.constant 0 : index
    %get3A_19 = arith.constant 0 : index
    %get3A_20 = vector.load %arg2[%get3A_17, %get3A_18, %get3A_19] : memref<100x100x128xf32, #tpu.memory_space<vmem>>, vector<100x100x128xf32>
    %reduce_sum3A_21 = arith.constant dense<0.000000e+00> : vector<100x128xf32>
    %reduce_sum3A_22 = vector.multi_reduction <add>, %get3A_20, %reduce_sum3A_21 [1] : vector<100x100x128xf32> to vector<100x128xf32>
    %get3A_23 = arith.constant 0 : index
    %get3A_24 = arith.constant 0 : index
    %get3A_25 = vector.load %arg5[%get3A_23, %get3A_24] : memref<128x128xf32, #tpu.memory_space<vmem>>, vector<128x128xf32>
    %dot_general3A_26 = arith.constant dense<0.000000e+00> : vector<100x128xf32>
    %dot_general3A_27 = tpu.matmul %reduce_sum3A_22, %get3A_25, %dot_general3A_26 {dimension_numbers = #tpu.dot_dimension_numbers<[1], [1], [0], [0], [0, 0, 1, 0], [], []>, transpose_lhs_hint = false} : vector<100x128xf32>, vector<128x128xf32>, vector<100x128xf32> -> vector<100x128xf32>
    %get3A_28 = arith.constant 0 : index
    %get3A_29 = arith.constant 0 : index
    %get3A_30 = vector.load %arg6[%get3A_28, %get3A_29] : memref<128x128xf32, #tpu.memory_space<vmem>>, vector<128x128xf32>
    %dot_general3A_31 = arith.constant dense<0.000000e+00> : vector<100x128xf32>
    %dot_general3A_32 = tpu.matmul %add3A, %get3A_30, %dot_general3A_31 {dimension_numbers = #tpu.dot_dimension_numbers<[1], [1], [0], [0], [0, 0, 1, 0], [], []>, transpose_lhs_hint = false} : vector<100x128xf32>, vector<128x128xf32>, vector<100x128xf32> -> vector<100x128xf32>
    %add3A_33 = arith.addf %dot_general3A_27, %dot_general3A_32 : vector<100x128xf32>
    %get3A_34 = arith.constant 0 : index
    %get3A_35 = arith.constant 0 : index
    %get3A_36 = vector.load %arg7[%get3A_34, %get3A_35] : memref<1x128xf32, #tpu.memory_space<vmem>>, vector<1x128xf32>
    %add3A_37 = vector.broadcast %get3A_36 : vector<1x128xf32> to vector<100x128xf32>
    %add3A_38 = arith.addf %add3A_33, %add3A_37 : vector<100x128xf32>
    %max3A = arith.constant 0.000000e+00 : f32
    %max3A_39 = vector.broadcast %max3A : f32 to vector<100x128xf32>
    %max3A_40 = arith.maximumf %add3A_38, %max3A_39 : vector<100x128xf32>
    %get3A_41 = arith.constant 0 : index
    %get3A_42 = arith.constant 0 : index
    %get3A_43 = vector.load %arg8[%get3A_41, %get3A_42] : memref<8x128xf32, #tpu.memory_space<vmem>>, vector<8x128xf32>
    %dot_general3A_44 = arith.constant dense<0.000000e+00> : vector<100x8xf32>
    %dot_general3A_45 = tpu.matmul %max3A_40, %get3A_43, %dot_general3A_44 {dimension_numbers = #tpu.dot_dimension_numbers<[1], [1], [0], [0], [0, 0, 1, 0], [], []>, transpose_lhs_hint = false} : vector<100x128xf32>, vector<8x128xf32>, vector<100x8xf32> -> vector<100x8xf32>
    %get3A_46 = arith.constant 0 : index
    %get3A_47 = arith.constant 0 : index
    %get3A_48 = memref.load %arg9[%get3A_46, %get3A_47] : memref<1x1xf32, #tpu.memory_space<smem>>
    %add3A_49 = vector.broadcast %get3A_48 : f32 to vector<100x8xf32>
    %add3A_50 = arith.addf %dot_general3A_45, %add3A_49 : vector<100x8xf32>
    %swap3A = arith.constant 0 : index
    %swap3A_51 = arith.constant 0 : index
    %swap3A_52 = vector.load %arg10[%swap3A, %swap3A_51] : memref<100x8xf32, #tpu.memory_space<vmem>>, vector<100x8xf32>
    tpu.vector_store %arg10[%swap3A, %swap3A_51], %add3A_50 {strides = array<i32>} : memref<100x8xf32, #tpu.memory_space<vmem>>, vector<100x8xf32>,
    return
  }
}

</mosaic_0001>

<sc_bundles>
// kernel: kernel.6.cloned.1.call-start
scs
__scs_entry_jumppad:
0x0: {  	(pc) =	sbr.rel $0x88, $3  }
0x1: {  	(tag) =	ssettag $0x0;
	lr =	simm.s32 $0x1  }
0x2: {  	[smem:$0x3F96] =	sst lr;
	_ =	strace $0xD0000000  }
0x3: {  	_ = 	snop  }
0x4: {  	_ = 	snop  }
0x5: {  	_ = 	snop  }
0x6: {  	_ = 	snop  }
0x7: {  	_ = 	snop  }
__scs_overlays_trampoline_lowered:
0x8: {  	[smem:$0x3FA5] =	sst s0  }
0x9: {  	[smem:$0x3FA6] =	sst s1  }
0xa: {  	[smem:$0x3FA7] =	sst s2  }
0xb: {  	[smem:$0x3FA8] =	sst s3  }
0xc: {  	[smem:$0x3FA9] =	sst s4  }
0xd: {  	[smem:$0x3FAA] =	sst s5  }
0xe: {  	[smem:$0x3FAB] =	sst s6  }
0xf: {  	[smem:$0x3FAC] =	sst s7  }
0x10: {  	[smem:$0x3FAD] =	sst s8  }
0x11: {  	[smem:$0x3FAE] =	sst s9;
	s0 =	simm.s32 @!p0 $0x0  }
0x12: {  	s1 =	sld [smem:$0x3F94];
	s0 =	simm.s32 @p0 $0x1  }
0x13: {  	[smem:$0x3FAF] =	sst s0;
	s0 =	simm.s32 @!p1 $0x0  }
0x14: {  	s2 =	sld [smem:$0x3F93];
	s0 =	simm.s32 @p1 $0x1  }
0x15: {  	[smem:$0x3FB0] =	sst s0;
	s0 =	simm.s32 @!p2 $0x0  }
0x16: {  	s3 =	sld [smem:$0x3FDB];
	s0 =	simm.s32 @p2 $0x1  }
0x17: {  	s4 =	simm.s32 $0x1BF5;
	[smem:$0x3FB2] =	sst s0  }
0x18: {  	s0 =	sld [smem:$0x3F95];
	_ =	swait.ge [sflag:s4], $0x0  }
0x19: {  	s7 =	sld [smem:$0x3F96]  }
0x1a: {  	s8 =	sadd.s32 $0xFFFFE003, lr  }
0x1b: {  	s9 =	sadd.s32 $0xFFFFFEF7, lr;
	s5 =	simm.s32 $0xFFFFFFFF;
	p2 =	slt.u32 s8, $0xFFFFF086  }
0x1c: {  	p1 =	slt.u32 s9, $0xF7A;
	s5 =	simm.s32 @!p2 $0x0  }
0x1d: {  	s5 =	simm.s32 @p1 $0x1;
	p0 =	seq.s32 s7, s2  }
0x1e: {  	s7 =	smul.u32 @!p0 $0xF7A, s2;
	p2 =	seq.s32 @!p0 s5, $0x0  }
0x1f: {  	s9 =	smul.u32 $0xF7A, s1;
	s8 =	simm.s32 @!p0 $0x1BF5;
	p2 =	por !p2, p0  }
0x20: {  	[sflag:s8] =	ssyncset.s32 @!p0 $0xFFFFF086;
	s6 =	sadd.s32 @!p0 s3, s7;
	s7 =	simm.s32 @!p0 $0x108  }
0x21: {  	s3 =	sadd.s32 s3, s9;
	s6 =	sadd.s32 @!p0 $0x88, s6;
	s7 =	simm.s32 @p2 $0x1082  }
0x22: {  	[simem:s7], [sflag:s8] =	dma.local @!p0 [hbm:s6], $0xF7A  }
0x23: {  	s9 =	sor.u32 $0xD0000000, s2;
	s6 =	simm.s32 $0x108;
	_ =	swait.ge @!p0 [sflag:s8], $0x0  }
0x24: {  	s3 =	sadd.s32 $0x88, s3;
	s6 =	simm.s32 @!p1 $0x1082;
	[sflag:s4] =	ssyncset.s32 $0xFFFFF086  }
0x25: {  	[simem:s6], [sflag:s4] =	dma.local [hbm:s3], $0xF7A  }
0x26: {  	[smem:$0x3F96] =	sst s1;
	(tag) =	ssettag s2;
	_ =	strace s9  }
0x27: {  	s1 =	sld [smem:$0x3FA6]  }
0x28: {  	s2 =	sld [smem:$0x3FA7]  }
0x29: {  	s4 =	sld [smem:$0x3FA9]  }
0x2a: {  	p0 =	seq.s32 s5, $0x0;
	s5 =	sld [smem:$0x3FAA]  }
0x2b: {  	s6 =	sld [smem:$0x3FAB]  }
0x2c: {  	s7 =	sld [smem:$0x3FAC]  }
0x2d: {  	s3 =	simm.s32 $0x108;
	s8 =	sld [smem:$0x3FAD]  }
0x2e: {  	s3 =	simm.s32 @!p0 $0x1082;
	s9 =	sld [smem:$0x3FAE]  }
0x2f: {  	lr =	sadd.s32 s0, s3;
	s0 =	sld [smem:$0x3FA5]  }
0x30: {  	s3 =	sld [smem:$0x3FA8]  }
0x31: {  	[smem:$0x3FB1] =	sst s10  }
0x32: {  	s10 =	sld [smem:$0x3FAF];
	_ =	sdelay $0x3  }
0x33: {  	p0 =	seq.s32 s10, $0x1;
	s10 =	sld [smem:$0x3FB1];
	_ =	sdelay $0x3  }
0x34: {  	[smem:$0x3FB1] =	sst s10  }
0x35: {  	s10 =	sld [smem:$0x3FB0];
	_ =	sdelay $0x3  }
0x36: {  	p1 =	seq.s32 s10, $0x1;
	s10 =	sld [smem:$0x3FB1];
	_ =	sdelay $0x3  }
0x37: {  	[smem:$0x3FB1] =	sst s10  }
0x38: {  	s10 =	sld [smem:$0x3FB2]  }
0x39: {  	_ = 	snop;
	(pc) =	sbr.ind lr, $3  }
0x3a: {  	_ = 	snop  }
0x3b: {  	_ = 	snop  }
0x3c: {  	p2 =	seq.s32 s10, $0x1;
	s10 =	sld [smem:$0x3FB1]  }
0x3d: {  	_ =	shalt  }
0x3e: {  	_ =	shalt  }
0x3f: {  	_ =	shalt  }
0x40: {  	_ =	shalt  }
0x41: {  	_ =	shalt  }
0x42: {  	_ =	shalt  }
0x43: {  	_ =	shalt  }
0x44: {  	_ =	shalt  }
0x45: {  	_ =	shalt  }
0x46: {  	_ =	shalt  }
0x47: {  	_ =	shalt  }
0x48: {  	_ =	shalt  }
0x49: {  	_ =	shalt  }
0x4a: {  	_ =	shalt  }
0x4b: {  	_ =	shalt  }
0x4c: {  	_ =	shalt  }
0x4d: {  	_ =	shalt  }
0x4e: {  	_ =	shalt  }
0x4f: {  	_ =	shalt  }
0x50: {  	_ =	shalt  }
0x51: {  	_ =	shalt  }
0x52: {  	_ =	shalt  }
0x53: {  	_ =	shalt  }
0x54: {  	_ =	shalt  }
0x55: {  	_ =	shalt  }
0x56: {  	_ =	shalt  }
0x57: {  	_ =	shalt  }
0x58: {  	_ =	shalt  }
0x59: {  	_ =	shalt  }
0x5a: {  	_ =	shalt  }
0x5b: {  	_ =	shalt  }
0x5c: {  	_ =	shalt  }
0x5d: {  	_ =	shalt  }
0x5e: {  	_ =	shalt  }
0x5f: {  	_ =	shalt  }
0x60: {  	_ =	shalt  }
0x61: {  	_ =	shalt  }
0x62: {  	_ =	shalt  }
0x63: {  	_ =	shalt  }
0x64: {  	_ =	shalt  }
0x65: {  	_ =	shalt  }
0x66: {  	_ =	shalt  }
0x67: {  	_ =	shalt  }
0x68: {  	_ =	shalt  }
0x69: {  	_ =	shalt  }
0x6a: {  	_ =	shalt  }
0x6b: {  	_ =	shalt  }
0x6c: {  	_ =	shalt  }
0x6d: {  	_ =	shalt  }
0x6e: {  	_ =	shalt  }
0x6f: {  	_ =	shalt  }
0x70: {  	_ =	shalt  }
0x71: {  	_ =	shalt  }
0x72: {  	_ =	shalt  }
0x73: {  	_ =	shalt  }
0x74: {  	_ =	shalt  }
0x75: {  	_ =	shalt  }
0x76: {  	_ =	shalt  }
0x77: {  	_ =	shalt  }
0x78: {  	_ =	shalt  }
0x79: {  	_ =	shalt  }
0x7a: {  	_ =	shalt  }
0x7b: {  	_ =	shalt  }
0x7c: {  	_ =	shalt  }
0x7d: {  	_ =	shalt  }
0x7e: {  	_ =	shalt  }
0x7f: {  	_ =	shalt  }
0x80: {  	_ =	shalt  }
0x81: {  	_ =	shalt  }
0x82: {  	_ =	shalt  }
0x83: {  	_ =	shalt  }
0x84: {  	_ =	shalt  }
0x85: {  	_ =	shalt  }
0x86: {  	_ =	shalt  }
0x87: {  	_ =	shalt  }
.Lfunc_end0:
.L_simem_size_0:
called_computation_lowered:
.L_overlay_start_0:
0x88: {  	s2 =	sld [smem:$0x3FD9]  }
0x89: {  	s3 =	sld [smem:$0x3FFE];
	_ =	sdelay $0x1  }
0x8a: {  	s1 =	srdreg.scid  }
0x8b: {  	s0 =	sand.u32 $0x1, s1  }
0x8c: {  	s16 =	sshll.u32 s0, $0xA;
	s2 =	sadd.s32 s3, s2  }
0x8d: {  	s2 =	sadd.s32 s2, s16  }
0x8e: {  	[smem:$0x3FBD] =	sst s2  }
0x8f: {  	_ = 	snop  }
0x90: {  	(tm) =	ssettm $0x1  }
0x91: {  	s17 =	sld [smem:$0x3FFB];
	_ =	sdelay $0x3  }
0x92: {  	_ =	strace s17  }
0x93: {  	s2 =	sld [smem:$0x3FFC];
	_ =	sdelay $0x3  }
0x94: {  	_ =	strace s2  }
0x95: {  	s2 =	sld [smem:$0x3FFD];
	_ =	sdelay $0x3  }
0x96: {  	_ =	strace s2  }
0x97: {  	_ =	strace $0x8FFFFFFF  }
0x98: {  	s18 =	sld [smem:$0x3FDB];
	_ =	sdelay $0x1  }
0x99: {  	s19 =	simm.s32 $_scs_section_size  }
0x9a: {  	s4 =	simm.s32 $_size__tile_overlayer_lowered;
	s5 =	simm.s32 $_tile_overlayer_lowered  }
0x9b: {  	s22 =	simm.s32 $0x1BFF;
	s21 =	sshll.u32 s5, $0x1;
	s2 =	sadd.s32 s19, s18  }
0x9c: {  	s6 =	simm.s32 $0x0;
	s20 =	sshll.u32 s4, $0x1;
	s4 =	sadd.s32 s21, s2  }
0x9d: {  	[timem:s6], [sflag:s22] =	dma.local [hbm:s4], s20  }
0x9e: {  	_ =	swait.ge [sflag:s22], s20  }
0x9f: {  	s3 =	ssub.s32 $0x0, s20;
	[sflag:s22] =	ssyncset.done $0x0  }
0xa0: {  	[sflag:s22] =	ssyncadd.s32 s3;
	_ =	sdelay $0x1  }
0xa1: {  	s23 =	simm.s32 $0x1B8B  }
0xa2: {  	_ =	swait.ge [sflag:s23], $0x1  }
0xa3: {  	[sflag:s23] =	ssyncset.done $0x0  }
0xa4: {  	s25 =	simm.s32 $0x1B8E;
	s24 =	sld [smem:$0x3FFE];
	[sflag:s23] =	ssyncadd.s32 $0xFFFFFFFF  }
0xa5: {  	s26 =	simm.s32 $execute0_lowered;
	[smem:$0x3FD2] =	sst s25  }
0xa6: {  	s4 =	sshll.u32 s26, $0x1;
	_ =	strace $0x80000046;
	[dreg:$0x1] =	wrdreg $0xFFFFFFFF  }
0xa7: {  	s28 =	simm.s32 $_size_execute0_lowered;
	s2 =	sadd.s32 s2, s4;
	[dreg:$0x0] =	wrdreg $0x0  }
0xa8: {  	s4 =	sshll.u32 s28, $0x1;
	[dreg:$0x2] =	wrdreg s2  }
0xa9: {  	[dreg:$0x3] =	wrdreg s4  }
0xaa: {  	[dreg:$0x4] =	wrdreg $0xC0  }
0xab: {  	_ =	task [dreg:s6], $0x5FFFF  }
0xac: {  	[dreg:$0x1] =	wrdreg $0xFFFFFFFF  }
0xad: {  	[dreg:$0x0] =	wrdreg $0x60  }
0xae: {  	[dreg:$0x2] =	wrdreg s24  }
0xaf: {  	[dreg:$0x3] =	wrdreg $0x1B7000  }
0xb0: {  	[dreg:$0x4] =	wrdreg $0x9  }
0xb1: {  	_ =	task.clear_ibuf [dreg:s6], $0x5FFFF;
	_ =	strace $0x90000046  }
0xb2: {  	s29 =	simm.s32 $0x9;
	_ =	strace $0x80000048  }
0xb3: {  	_ =	swait.ge [sflag:s29], $0x1  }
0xb4: {  	[sflag:s29] =	ssyncadd.s32 $0xFFFFFFFF  }
0xb5: {  	_ =	strace $0x90000048  }
0xb6: {  	_ =	sfence  }
0xb7: {  	s30 =	sld [smem:$0x0];
	_ =	sdelay $0x2  }
0xb8: {  	s31 =	sshll.u32 s1, $0xD;
	s1 =	sshrl.u32 s1, $0x2  }
0xb9: {  	s3 =	sand.u32 $0x4000, s31;
	s1 =	sadd.s32 s1, s30  }
0xba: {  	s0 =	sor.u32 s3, s0;
	s1 =	sshll.u32 s1, $0x11  }
0xbb: {  	s0 =	sor.u32 s1, s0  }
0xbc: {  	s0 =	sadd.s32 $0x8F2B, s0  }
0xbd: {  	[sflag:s0] =	ssyncadd.remote.s32 $0x1  }
0xbe: {  	_ =	sfence.sel $0xFFFF  }
0xbf: {  	[dreg:$0x0] =	wrdreg $0xFFFFFFFF;
	(pc) =	sbr.abs _section_cstart, $3  }
0xc0: {  	[dreg:$0x1] =	wrdreg $0xFFFFFFFF  }
0xc1: {  	_ =	task.clear_ibuf [dreg:s6], $0x2FFFF;
	_ =	strace $0x9FFFFFFF  }
0xc2: {  	(tm) =	ssettm $0x7FFFFFFF  }
0xc3: {  	_ =	shalt  }
tec
execute0_lowered:
.L_overlay_start_1:
0x0: {  	(tag) =	ssettag $0x1  }
0x1: {  	s12 =	rddreg [dreg:$0x0]  }
0x2: {  	s1 =	rddreg [dreg:$0x1]  }
0x3: {  	s2 =	simm.s32 $0x0;
	s0 =	simm.s32 $0x0;
	s19 =	srdreg.scid  }
0x4: {  	s9 =	stileid.u32;
	s28 =	simm.s32 $0x9;
	s29 =	simm.s32 $0xA  }
0x5: {  	s30 =	simm.s32 $0xC300;
	s18 =	simm.s32 $0x0;
	[smem:$0x7FF] =	sst s2  }
0x6: {  	s3 =	sadd.s32 $0x15800, s12;
	s2 =	sand.u32 $0x1, s19;
	s4 =	sadd.s32 $0x3D800, s12  }
0x7: {  	s5 =	sadd.s32 $0x4FC800, s12;
	s8 =	sadd.s32 $0xB800, s12;
	p0 =	sne.s32 s9, $0x0  }
0x8: {  	s19 =	simm.s32 $0x1;
	_ =	strace $0x80000047;
	s6 =	sshll.u32 s2, $0x4  }
0x9: {  	s10 =	smul.u32 $0x680, s2;
	s2 =	ssub.s32 $0x2, s2;
	s11 =	sor.u32 s9, s6  }
0xa: {  	s6 =	sadd.s32 $0x1800, s12;
	s20 =	sshrl.u32 s2, $0x1;
	s7 =	smul.u32 $0x2800, s11  }
0xb: {  	s9 =	simm.s32 $0x200;
	s17 =	sadd.s32 s10, s12;
	s13 =	smul.u32 $0x28000, s11  }
0xc: {  	s2 =	ssub.s32 s2, s20;
	s10 =	smul.u32 $0x140000, s11;
	s11 =	simm.s32 $0x4  }
0xd: {  	s12 =	simm.s32 $0x5;
	s31 =	sadd.s32 $0x66000, s17;
	s2 =	smax.u32 s2, $0x1  }
0xe: {  	s21 =	sshrl.u32 s7, $0x3;
	s24 =	sadd.s32 s5, s13;
	[dreg:$0x8] =	wrdreg s31  }
0xf: {  	s15 =	sor.u32 $0x4000, s10;
	s16 =	sor.u32 $0x180, s7;
	[dreg:$0x9] =	wrdreg s2  }
0x10: {  	s13 =	simm.s32 $0x6;
	s22 =	sadd.s32 s6, s21;
	[dreg:$0x5] =	wrdreg s24  }
0x11: {  	s14 =	sor.u32 $0x10, s21;
	s23 =	sadd.s32 s8, s21;
	[dreg:$0x3] =	wrdreg s22  }
0x12: {  	s21 =	simm.s32 $0x80;
	s24 =	simm.s32 $0x3;
	[dreg:$0x4] =	wrdreg s23  }
0x13: {  	s25 =	sadd.s32 s6, s14;
	s26 =	sadd.s32 s8, s14;
	s22 =	simm.s32 $0x300  }
0x14: {  	s23 =	simm.s32 $0x2;
	s14 =	simm.s32 $0x280;
	[dreg:$0x6] =	wrdreg s25  }
0x15: {  	v0 =	vimm.f32 $0.0e+00;
	[dreg:$0x7] =	wrdreg s26;
	s25 =	simm.s32 $0x100;
	s26 =	simm.s32 $0x180  }
.LBB2_1:
.Ltmp0:
0x16: {  	(pc) =	sbr.rel @p0 .LBB2_5-.Ltmp0, $1  }
0x17: {  	_ =	sdelay $0x3  }
0x18: {  	s17 =	simm.s32 $0x0  }
0x19: {  	s0 =	simm.s32 $0x0;
	s2 =	sshra.s32 s17, $0x2;
	s17 =	sadd.s32 $0x200, s17  }
.LBB2_3:
0x1a: {  	p1 =	sne.s32 s17, $0xCE00;
	[tilespmem:s2+$0x18370] =	vst v0  }
0x1b: {  	[tilespmem:s2+$0x18300] =	vst v0  }
0x1c: {  	[tilespmem:s2+$0x18310] =	vst v0  }
.Ltmp1:
0x1d: {  	[tilespmem:s2+$0x18320] =	vst v0;
	(pc) =	sbr.rel @p1 .LBB2_3-.Ltmp1, $4  }
0x1e: {  	[tilespmem:s2+$0x18330] =	vst v0  }
0x1f: {  	[tilespmem:s2+$0x18340] =	vst v0  }
0x20: {  	[tilespmem:s2+$0x18350] =	vst v0  }
0x21: {  	[tilespmem:s2+$0x18360] =	vst v0;
	s2 =	sshra.s32 s17, $0x2;
	s17 =	sadd.s32 $0x200, s17  }
0x22: {  	[tilespmem:s2+$0x18370] =	vst v0  }
0x23: {  	[tilespmem:s2+$0x18300] =	vst v0  }
0x24: {  	[tilespmem:s2+$0x18310] =	vst v0  }
0x25: {  	[tilespmem:s2+$0x18320] =	vst v0  }
0x26: {  	[tilespmem:s2+$0x18330] =	vst v0  }
0x27: {  	[tilespmem:s2+$0x18340] =	vst v0  }
0x28: {  	[tilespmem:s2+$0x18350] =	vst v0  }
0x29: {  	[tilespmem:s2+$0x18360] =	vst v0;
	s20 =	simm.s32 $0x18300;
	s31 =	simm.s32 $0xD  }
0x2a: {  	[spmem:s1] =	stream.linear.scatter [tilespmem:s20], [sflag:$0xD], $0x3400, $0x38;
	[tilespmem:$0x1BA40] =	vst v63  }
0x2b: {  	_ =	swait.ge [sflag:s31], $0x3400  }
0x2c: {  	[sflag:s31] =	ssyncset.done $0x0  }
0x2d: {  	[sflag:s31] =	ssyncadd.s32 $0xFFFFCC00  }
.LBB2_5:
0x2e: {  	[dreg:$0xa] =	wrdreg s18  }
0x2f: {  	[bflag:$0x0] =	sbarrier.arrive $0xFFFF  }
0x30: {  	s18 =	simm.s32 $0x0;
	s17 =	simm.s32 $0xD;
	s2 =	rddreg [dreg:$0x3]  }
0x31: {  	[tilespmem:s18], [sflag:$0xD] =	stream.linear.gather [hbm4b:s2+s18], $0x80, $0x38;
	[tilespmem:$0x1BA40] =	vst v63  }
0x32: {  	_ =	swait.ge [sflag:s17], $0x80  }
0x33: {  	[sflag:s17] =	ssyncset.done $0x0  }
0x34: {  	s31 =	rddreg [dreg:$0x4];
	[sflag:s17] =	ssyncadd.s32 $0xFFFFFF80  }
0x35: {  	[tilespmem:s21], [sflag:$0xD] =	stream.linear.gather [hbm4b:s31+s18], $0x80, $0x38;
	[tilespmem:$0x1BA40] =	vst v63  }
0x36: {  	_ =	swait.ge [sflag:s17], $0x80  }
0x37: {  	[sflag:s17] =	ssyncset.done $0x0  }
0x38: {  	[sflag:s17] =	ssyncadd.s32 $0xFFFFFF80  }
0x39: {  	[tilespmem:s22], [sflag:$0x1] =	stream.indirect.gather [hbm4b:s3+s21], $0x80, s18, s21, $0xb8;
	[tilespmem:$0x1BA40] =	vst v63  }
0x3a: {  	s17 =	simm.s32 $0x4300  }
0x3b: {  	[tilespmem:s17], [sflag:$0x2] =	stream.indirect.gather [hbm4b:s4+s21], $0x80, s21, s21, $0xb8;
	[tilespmem:$0x1BA40] =	vst v63  }
0x3c: {  	s31 =	simm.s32 $0x8300;
	s20 =	rddreg [dreg:$0x5]  }
0x3d: {  	[tilespmem:s31], [sflag:$0x3] =	stream.linear.gather [hbm4b:s20+s18], $0x4000, $0x38;
	[tilespmem:$0x1BA40] =	vst v63  }
0x3e: {  	s20 =	rddreg [dreg:$0x6]  }
0x3f: {  	[tilespmem:s25], [sflag:$0x9] =	stream.linear.gather [hbm4b:s20+s18], $0x80, $0x38;
	[tilespmem:$0x1BA40] =	vst v63  }
0x40: {  	s31 =	rddreg [dreg:$0x7]  }
0x41: {  	[tilespmem:s26], [sflag:$0xA] =	stream.linear.gather [hbm4b:s31+s18], $0x80, $0x38;
	[tilespmem:$0x1BA40] =	vst v63  }
.LBB2_6:
0x42: {  	_ =	swait.ge [sflag:s28], $0x80  }
0x43: {  	[sflag:s28] =	ssyncset.done $0x0  }
0x44: {  	[sflag:s28] =	ssyncadd.s32 $0xFFFFFF80  }
0x45: {  	_ =	swait.ge [sflag:s29], $0x80  }
0x46: {  	p1 =	seq.s32 s18, $0x0;
	[sflag:s29] =	ssyncset.done $0x0  }
0x47: {  	s2 =	simm.s32 @!p1 $0xC;
	[sflag:s29] =	ssyncadd.s32 $0xFFFFFF80  }
0x48: {  	_ =	swait.ge @!p1 [sflag:s2], $0x4000  }
0x49: {  	s20 =	sshll.u32 s18, $0xF;
	[sflag:s2] =	ssyncset.done @!p1 $0x0  }
0x4a: {  	[sflag:s2] =	ssyncadd.s32 @!p1 $0xFFFFC000;
	s2 =	sadd.s32 s20, s15  }
0x4b: {  	[tilespmem:s30], [sflag:$0x4] =	stream.indirect.gather [hbm4b:s3+s21], $0x80, s25, s21, $0xb8;
	[tilespmem:$0x1BA40] =	vst v63  }
0x4c: {  	s17 =	simm.s32 $0x10300;
	s2 =	sshrl.u32 s2, $0x3  }
0x4d: {  	[tilespmem:s17], [sflag:$0x5] =	stream.indirect.gather [hbm4b:s4+s21], $0x80, s26, s21, $0xb8;
	[tilespmem:$0x1BA40] =	vst v63  }
0x4e: {  	s2 =	sadd.s32 s5, s2;
	s17 =	simm.s32 $0x14300  }
0x4f: {  	[tilespmem:s17], [sflag:$0x6] =	stream.linear.gather [hbm4b:s2+s0], $0x4000, $0x38;
	[tilespmem:$0x1BA40] =	vst v63  }
0x50: {  	v1 =	vld [tilespmem:$0x0]  }
0x51: {  	v2 =	vld [tilespmem:$0x10]  }
0x52: {  	v3 =	vld [tilespmem:$0x20]  }
0x53: {  	v4 =	vld [tilespmem:$0x30]  }
0x54: {  	v5 =	vld [tilespmem:$0x40]  }
0x55: {  	v6 =	vld [tilespmem:$0x50];
	v1 =	vmul.u32 $0x147B, v1  }
0x56: {  	v7 =	vld [tilespmem:$0x60];
	v2 =	vmul.u32 $0x147B, v2  }
0x57: {  	v8 =	vld [tilespmem:$0x70];
	v3 =	vmul.u32 $0x147B, v3;
	v1 =	vshrl.u32 v1, $0x13  }
0x58: {  	[tilespmem:$0x200] =	vst v1;
	v1 =	vshrl.u32 v2, $0x13;
	v2 =	vmul.u32 $0x147B, v4  }
0x59: {  	[tilespmem:$0x210] =	vst v1;
	v1 =	vshrl.u32 v3, $0x13;
	v3 =	vmul.u32 $0x147B, v5  }
0x5a: {  	[tilespmem:$0x220] =	vst v1;
	v1 =	vshrl.u32 v2, $0x13;
	v2 =	vmul.u32 $0x147B, v6  }
0x5b: {  	[tilespmem:$0x230] =	vst v1;
	v1 =	vshrl.u32 v3, $0x13;
	v3 =	vmul.u32 $0x147B, v7  }
0x5c: {  	[tilespmem:$0x240] =	vst v1;
	v1 =	vshrl.u32 v2, $0x13;
	v2 =	vmul.u32 $0x147B, v8  }
0x5d: {  	[tilespmem:$0x250] =	vst v1;
	v1 =	vshrl.u32 v3, $0x13  }
0x5e: {  	[tilespmem:$0x260] =	vst v1;
	v1 =	vshrl.u32 v2, $0x13  }
0x5f: {  	[tilespmem:$0x270] =	vst v1  }
0x60: {  	_ =	swait.ge [sflag:s19], $0x4000  }
0x61: {  	[sflag:s19] =	ssyncset.done $0x0  }
0x62: {  	[sflag:s19] =	ssyncadd.s32 $0xFFFFC000  }
0x63: {  	s31 =	sshll.u32 s18, $0x1;
	_ =	swait.ge [sflag:s23], $0x4000  }
0x64: {  	s20 =	sadd.s32 $0x2, s31;
	p1 =	seq.s32 s18, $0x27;
	[sflag:s23] =	ssyncset.done $0x0  }
0x65: {  	s2 =	sshll.u32 @!p1 s20, $0x7;
	[sflag:s23] =	ssyncadd.s32 $0xFFFFC000  }
0x66: {  	s2 =	sadd.s32 @!p1 s7, s2;
	_ =	swait.ge [sflag:s24], $0x4000  }
0x67: {  	s2 =	sshrl.u32 @!p1 s2, $0x3;
	[sflag:s24] =	ssyncset.done $0x0  }
0x68: {  	s31 =	simm.s32 @!p1 $0x0;
	s17 =	sadd.s32 @!p1 s6, s2;
	[sflag:s24] =	ssyncadd.s32 $0xFFFFC000  }
0x69: {  	[tilespmem:s31], [sflag:$0x7] =	stream.linear.gather @!p1 [hbm4b:s17+s31], $0x80, $0x38;
	[tilespmem:$0x1BA40] =	vst v63  }
0x6a: {  	s2 =	sadd.s32 @!p1 s8, s2;
	s17 =	simm.s32 @!p1 $0x80  }
0x6b: {  	[tilespmem:s17], [sflag:$0x8] =	stream.linear.gather @!p1 [hbm4b:s2+s31], $0x80, $0x38;
	[tilespmem:$0x1BA40] =	vst v63  }
0x6c: {  	s17 =	simm.s32 $0x0  }
0x6d: {  	v5 =	vld [tilespmem:s17+$0x8300]  }
0x6e: {  	v6 =	vld [tilespmem:s17+$0x8310]  }
0x6f: {  	v4 =	vld [tilespmem:s17+$0x8320]  }
0x70: {  	v3 =	vld [tilespmem:s17+$0x8330]  }
0x71: {  	v2 =	vld [tilespmem:s17+$0x8340]  }
0x72: {  	v1 =	vld [tilespmem:s17+$0x8350]  }
0x73: {  	v13 =	vld [tilespmem:s17+$0x4300]  }
0x74: {  	v18 =	vld [tilespmem:s17+$0x4310]  }
0x75: {  	v12 =	vld [tilespmem:s17+$0x4320]  }
0x76: {  	v11 =	vld [tilespmem:s17+$0x4330]  }
0x77: {  	v10 =	vld [tilespmem:s17+$0x4340]  }
0x78: {  	v9 =	vld [tilespmem:s17+$0x4350]  }
0x79: {  	v8 =	vld [tilespmem:s17+$0x4360]  }
0x7a: {  	v7 =	vld [tilespmem:s17+$0x4370]  }
0x7b: {  	v19 =	vld [tilespmem:s17+$0x300]  }
0x7c: {  	v20 =	vld [tilespmem:s17+$0x310]  }
0x7d: {  	v17 =	vld [tilespmem:s17+$0x320]  }
0x7e: {  	v16 =	vld [tilespmem:s17+$0x330]  }
0x7f: {  	v15 =	vld [tilespmem:s17+$0x340]  }
0x80: {  	v14 =	vld [tilespmem:s17+$0x350];
	v19 =	vadd.f32 v13, v19  }
0x81: {  	s2 =	simm.s32 $0x200;
	v18 =	vadd.f32 v18, v20;
	v13 =	vld [tilespmem:s17+$0x360]  }
.LBB2_7:
0x82: {  	p2 =	sne.s32 s2, $0xFE00;
	v5 =	vadd.f32 v5, v19;
	v12 =	vadd.f32 v12, v17;
	v17 =	vld [tilespmem:s17+$0x370]  }
0x83: {  	v6 =	vadd.f32 v6, v18;
	v11 =	vadd.f32 v11, v16;
	v16 =	vld [tilespmem:s17+$0x8360]  }
0x84: {  	s31 =	sshra.s32 s2, $0x2;
	v18 =	vmax.f32 v5, $0.0e+00;
	v4 =	vadd.f32 v4, v12;
	v10 =	vadd.f32 v10, v15;
	v12 =	vld [tilespmem:s17+$0x8370]  }
0x85: {  	v5 =	vld [tilespmem:s31+$0x8300];
	[tilespmem:s17+$0x300] =	vst v18;
	v15 =	vmax.f32 v6, $0.0e+00;
	v3 =	vadd.f32 v3, v11;
	v9 =	vadd.f32 v9, v14  }
0x86: {  	v6 =	vld [tilespmem:s31+$0x8310];
	[tilespmem:s17+$0x310] =	vst v15;
	v11 =	vmax.f32 v4, $0.0e+00;
	v2 =	vadd.f32 v2, v10;
	v8 =	vadd.f32 v8, v13  }
0x87: {  	v4 =	vld [tilespmem:s31+$0x8320];
	[tilespmem:s17+$0x320] =	vst v11;
	v10 =	vmax.f32 v3, $0.0e+00;
	v1 =	vadd.f32 v1, v9;
	v7 =	vadd.f32 v7, v17  }
0x88: {  	v3 =	vld [tilespmem:s31+$0x8330];
	[tilespmem:s17+$0x330] =	vst v10;
	v9 =	vmax.f32 v2, $0.0e+00;
	v8 =	vadd.f32 v16, v8  }
0x89: {  	v2 =	vld [tilespmem:s31+$0x8340];
	[tilespmem:s17+$0x340] =	vst v9;
	v9 =	vmax.f32 v1, $0.0e+00;
	v7 =	vadd.f32 v12, v7  }
0x8a: {  	v1 =	vld [tilespmem:s31+$0x8350];
	[tilespmem:s17+$0x350] =	vst v9;
	v8 =	vmax.f32 v8, $0.0e+00  }
0x8b: {  	v13 =	vld [tilespmem:s31+$0x4300];
	[tilespmem:s17+$0x360] =	vst v8;
	v7 =	vmax.f32 v7, $0.0e+00  }
0x8c: {  	v18 =	vld [tilespmem:s31+$0x4310];
	[tilespmem:s17+$0x370] =	vst v7;
	s17 =	smov.u32 s31  }
0x8d: {  	v12 =	vld [tilespmem:s17+$0x4320]  }
0x8e: {  	v11 =	vld [tilespmem:s17+$0x4330]  }
0x8f: {  	v10 =	vld [tilespmem:s17+$0x4340]  }
0x90: {  	v9 =	vld [tilespmem:s17+$0x4350]  }
0x91: {  	v8 =	vld [tilespmem:s17+$0x4360]  }
0x92: {  	v7 =	vld [tilespmem:s17+$0x4370]  }
0x93: {  	v14 =	vld [tilespmem:s17+$0x300]  }
0x94: {  	v20 =	vld [tilespmem:s17+$0x310]  }
.Ltmp2:
0x95: {  	v17 =	vld [tilespmem:s17+$0x320];
	(pc) =	sbr.rel @p2 .LBB2_7-.Ltmp2, $4  }
0x96: {  	v16 =	vld [tilespmem:s17+$0x330]  }
0x97: {  	v15 =	vld [tilespmem:s17+$0x340]  }
0x98: {  	v19 =	vadd.f32 v13, v14;
	v14 =	vld [tilespmem:s17+$0x350]  }
0x99: {  	s2 =	sadd.s32 $0x200, s2;
	v18 =	vadd.f32 v18, v20;
	v13 =	vld [tilespmem:s17+$0x360]  }
0x9a: {  	v5 =	vadd.f32 v5, v19;
	v12 =	vadd.f32 v12, v17;
	v17 =	vld [tilespmem:s17+$0x370]  }
0x9b: {  	v6 =	vadd.f32 v6, v18;
	v11 =	vadd.f32 v11, v16;
	v16 =	vld [tilespmem:s17+$0x8360]  }
0x9c: {  	v5 =	vmax.f32 v5, $0.0e+00;
	v4 =	vadd.f32 v4, v12;
	v10 =	vadd.f32 v10, v15;
	v12 =	vld [tilespmem:s17+$0x8370]  }
0x9d: {  	[tilespmem:s17+$0x300] =	vst v5;
	v5 =	vmax.f32 v6, $0.0e+00;
	v3 =	vadd.f32 v3, v11;
	v6 =	vadd.f32 v9, v14  }
0x9e: {  	[tilespmem:s17+$0x310] =	vst v5;
	v4 =	vmax.f32 v4, $0.0e+00;
	v2 =	vadd.f32 v2, v10;
	v5 =	vadd.f32 v8, v13  }
0x9f: {  	[tilespmem:s17+$0x320] =	vst v4;
	v3 =	vmax.f32 v3, $0.0e+00;
	v1 =	vadd.f32 v1, v6;
	v4 =	vadd.f32 v7, v17  }
0xa0: {  	[tilespmem:s17+$0x330] =	vst v3;
	v2 =	vmax.f32 v2, $0.0e+00;
	v3 =	vadd.f32 v16, v5  }
0xa1: {  	[tilespmem:s17+$0x340] =	vst v2;
	v1 =	vmax.f32 v1, $0.0e+00;
	v2 =	vadd.f32 v12, v4  }
0xa2: {  	[tilespmem:s17+$0x350] =	vst v1;
	v1 =	vmax.f32 v3, $0.0e+00  }
0xa3: {  	[tilespmem:s17+$0x360] =	vst v1;
	v1 =	vmax.f32 v2, $0.0e+00  }
0xa4: {  	s2 =	simm.s32 @!p1 $0x7;
	[tilespmem:s17+$0x370] =	vst v1  }
0xa5: {  	[spmem:s1] =	stream.indirect.scatter.add.f32 [tilespmem:s22], [sflag:$0xB], $0x80, s9, s21, $0xb8;
	[tilespmem:$0x1BA40] =	vst v63  }
0xa6: {  	_ =	swait.ge @!p1 [sflag:s2], $0x80  }
0xa7: {  	[sflag:s2] =	ssyncset.done @!p1 $0x0  }
0xa8: {  	[sflag:s2] =	ssyncadd.s32 @!p1 $0xFFFFFF80;
	s2 =	simm.s32 @!p1 $0x8  }
0xa9: {  	_ =	swait.ge @!p1 [sflag:s2], $0x80  }
0xaa: {  	[sflag:s2] =	ssyncset.done @!p1 $0x0  }
0xab: {  	[sflag:s2] =	ssyncadd.s32 @!p1 $0xFFFFFF80;
	s2 =	simm.s32 @!p1 $0xB  }
0xac: {  	_ =	swait.ge @!p1 [sflag:s2], $0x4000  }
0xad: {  	s31 =	simm.s32 @!p1 $0x300;
	[sflag:s2] =	ssyncset.done @!p1 $0x0  }
0xae: {  	s17 =	simm.s32 @!p1 $0x0;
	[sflag:s2] =	ssyncadd.s32 @!p1 $0xFFFFC000;
	s2 =	simm.s32 @!p1 $0x80  }
0xaf: {  	[tilespmem:s31], [sflag:$0x1] =	stream.indirect.gather @!p1 [hbm4b:s3+s2], $0x80, s17, s2, $0xb8;
	[tilespmem:$0x1BA40] =	vst v63  }
0xb0: {  	s31 =	simm.s32 @!p1 $0x4300  }
0xb1: {  	[tilespmem:s31], [sflag:$0x2] =	stream.indirect.gather @!p1 [hbm4b:s4+s2], $0x80, s2, s2, $0xb8;
	[tilespmem:$0x1BA40] =	vst v63  }
0xb2: {  	s2 =	sshll.u32 @!p1 s20, $0xE  }
0xb3: {  	s2 =	sadd.s32 @!p1 s10, s2  }
0xb4: {  	s2 =	sshrl.u32 @!p1 s2, $0x3  }
0xb5: {  	s20 =	simm.s32 @!p1 $0x8300;
	s2 =	sadd.s32 @!p1 s5, s2  }
0xb6: {  	[tilespmem:s20], [sflag:$0x3] =	stream.linear.gather @!p1 [hbm4b:s2+s17], $0x4000, $0x38;
	[tilespmem:$0x1BA40] =	vst v63  }
0xb7: {  	v1 =	vld [tilespmem:$0x100]  }
0xb8: {  	v2 =	vld [tilespmem:$0x110]  }
0xb9: {  	v3 =	vld [tilespmem:$0x120]  }
0xba: {  	v4 =	vld [tilespmem:$0x130]  }
0xbb: {  	v5 =	vld [tilespmem:$0x140]  }
0xbc: {  	v6 =	vld [tilespmem:$0x150];
	v1 =	vmul.u32 $0x147B, v1  }
0xbd: {  	v7 =	vld [tilespmem:$0x160];
	v2 =	vmul.u32 $0x147B, v2  }
0xbe: {  	v8 =	vld [tilespmem:$0x170];
	v3 =	vmul.u32 $0x147B, v3;
	v1 =	vshrl.u32 v1, $0x13  }
0xbf: {  	[tilespmem:$0x280] =	vst v1;
	v1 =	vshrl.u32 v2, $0x13;
	v2 =	vmul.u32 $0x147B, v4  }
0xc0: {  	[tilespmem:$0x290] =	vst v1;
	v1 =	vshrl.u32 v3, $0x13;
	v3 =	vmul.u32 $0x147B, v5  }
0xc1: {  	[tilespmem:$0x2A0] =	vst v1;
	v1 =	vshrl.u32 v2, $0x13;
	v2 =	vmul.u32 $0x147B, v6  }
0xc2: {  	[tilespmem:$0x2B0] =	vst v1;
	v1 =	vshrl.u32 v3, $0x13;
	v3 =	vmul.u32 $0x147B, v7  }
0xc3: {  	[tilespmem:$0x2C0] =	vst v1;
	v1 =	vshrl.u32 v2, $0x13;
	v2 =	vmul.u32 $0x147B, v8  }
0xc4: {  	[tilespmem:$0x2D0] =	vst v1;
	v1 =	vshrl.u32 v3, $0x13  }
0xc5: {  	[tilespmem:$0x2E0] =	vst v1;
	v1 =	vshrl.u32 v2, $0x13  }
0xc6: {  	[tilespmem:$0x2F0] =	vst v1  }
0xc7: {  	_ =	swait.ge [sflag:s11], $0x4000  }
0xc8: {  	[sflag:s11] =	ssyncset.done $0x0  }
0xc9: {  	[sflag:s11] =	ssyncadd.s32 $0xFFFFC000  }
0xca: {  	_ =	swait.ge [sflag:s12], $0x4000  }
0xcb: {  	[sflag:s12] =	ssyncset.done $0x0  }
0xcc: {  	s2 =	sshll.u32 @!p1 s18, $0x8;
	[sflag:s12] =	ssyncadd.s32 $0xFFFFC000  }
0xcd: {  	s2 =	sadd.s32 @!p1 s2, s16;
	_ =	swait.ge [sflag:s13], $0x4000  }
0xce: {  	s2 =	sshrl.u32 @!p1 s2, $0x3;
	[sflag:s13] =	ssyncset.done $0x0  }
0xcf: {  	s31 =	simm.s32 @!p1 $0x100;
	s20 =	sadd.s32 @!p1 s6, s2;
	[sflag:s13] =	ssyncadd.s32 $0xFFFFC000  }
0xd0: {  	[tilespmem:s31], [sflag:$0x9] =	stream.linear.gather @!p1 [hbm4b:s20+s17], $0x80, $0x38;
	[tilespmem:$0x1BA40] =	vst v63  }
0xd1: {  	s2 =	sadd.s32 @!p1 s8, s2;
	s20 =	simm.s32 @!p1 $0x180  }
0xd2: {  	[tilespmem:s20], [sflag:$0xA] =	stream.linear.gather @!p1 [hbm4b:s2+s17], $0x80, $0x38;
	[tilespmem:$0x1BA40] =	vst v63  }
0xd3: {  	s17 =	simm.s32 $0x0  }
0xd4: {  	v5 =	vld [tilespmem:s17+$0x14300]  }
0xd5: {  	v6 =	vld [tilespmem:s17+$0x14310]  }
0xd6: {  	v4 =	vld [tilespmem:s17+$0x14320]  }
0xd7: {  	v3 =	vld [tilespmem:s17+$0x14330]  }
0xd8: {  	v2 =	vld [tilespmem:s17+$0x14340]  }
0xd9: {  	v1 =	vld [tilespmem:s17+$0x14350]  }
0xda: {  	v13 =	vld [tilespmem:s17+$0x10300]  }
0xdb: {  	v18 =	vld [tilespmem:s17+$0x10310]  }
0xdc: {  	v12 =	vld [tilespmem:s17+$0x10320]  }
0xdd: {  	v11 =	vld [tilespmem:s17+$0x10330]  }
0xde: {  	v10 =	vld [tilespmem:s17+$0x10340]  }
0xdf: {  	v9 =	vld [tilespmem:s17+$0x10350]  }
0xe0: {  	v8 =	vld [tilespmem:s17+$0x10360]  }
0xe1: {  	v7 =	vld [tilespmem:s17+$0x10370]  }
0xe2: {  	v19 =	vld [tilespmem:s17+$0xC300]  }
0xe3: {  	v20 =	vld [tilespmem:s17+$0xC310]  }
0xe4: {  	v17 =	vld [tilespmem:s17+$0xC320]  }
0xe5: {  	v16 =	vld [tilespmem:s17+$0xC330]  }
0xe6: {  	v15 =	vld [tilespmem:s17+$0xC340]  }
0xe7: {  	v14 =	vld [tilespmem:s17+$0xC350];
	v19 =	vadd.f32 v13, v19  }
0xe8: {  	s2 =	simm.s32 $0x200;
	v18 =	vadd.f32 v18, v20;
	v13 =	vld [tilespmem:s17+$0xC360]  }
.LBB2_9:
0xe9: {  	p1 =	sne.s32 s2, $0xFE00;
	v5 =	vadd.f32 v5, v19;
	v12 =	vadd.f32 v12, v17;
	v17 =	vld [tilespmem:s17+$0xC370]  }
0xea: {  	v6 =	vadd.f32 v6, v18;
	v11 =	vadd.f32 v11, v16;
	v16 =	vld [tilespmem:s17+$0x14360]  }
0xeb: {  	s20 =	sshra.s32 s2, $0x2;
	v18 =	vmax.f32 v5, $0.0e+00;
	v4 =	vadd.f32 v4, v12;
	v10 =	vadd.f32 v10, v15;
	v12 =	vld [tilespmem:s17+$0x14370]  }
0xec: {  	v5 =	vld [tilespmem:s20+$0x14300];
	[tilespmem:s17+$0xC300] =	vst v18;
	v15 =	vmax.f32 v6, $0.0e+00;
	v3 =	vadd.f32 v3, v11;
	v9 =	vadd.f32 v9, v14  }
0xed: {  	v6 =	vld [tilespmem:s20+$0x14310];
	[tilespmem:s17+$0xC310] =	vst v15;
	v11 =	vmax.f32 v4, $0.0e+00;
	v2 =	vadd.f32 v2, v10;
	v8 =	vadd.f32 v8, v13  }
0xee: {  	v4 =	vld [tilespmem:s20+$0x14320];
	[tilespmem:s17+$0xC320] =	vst v11;
	v10 =	vmax.f32 v3, $0.0e+00;
	v1 =	vadd.f32 v1, v9;
	v7 =	vadd.f32 v7, v17  }
0xef: {  	v3 =	vld [tilespmem:s20+$0x14330];
	[tilespmem:s17+$0xC330] =	vst v10;
	v9 =	vmax.f32 v2, $0.0e+00;
	v8 =	vadd.f32 v16, v8  }
0xf0: {  	v2 =	vld [tilespmem:s20+$0x14340];
	[tilespmem:s17+$0xC340] =	vst v9;
	v9 =	vmax.f32 v1, $0.0e+00;
	v7 =	vadd.f32 v12, v7  }
0xf1: {  	v1 =	vld [tilespmem:s20+$0x14350];
	[tilespmem:s17+$0xC350] =	vst v9;
	v8 =	vmax.f32 v8, $0.0e+00  }
0xf2: {  	v13 =	vld [tilespmem:s20+$0x10300];
	[tilespmem:s17+$0xC360] =	vst v8;
	v7 =	vmax.f32 v7, $0.0e+00  }
0xf3: {  	v18 =	vld [tilespmem:s20+$0x10310];
	[tilespmem:s17+$0xC370] =	vst v7;
	s17 =	smov.u32 s20  }
0xf4: {  	v12 =	vld [tilespmem:s17+$0x10320]  }
0xf5: {  	v11 =	vld [tilespmem:s17+$0x10330]  }
0xf6: {  	v10 =	vld [tilespmem:s17+$0x10340]  }
0xf7: {  	v9 =	vld [tilespmem:s17+$0x10350]  }
0xf8: {  	v8 =	vld [tilespmem:s17+$0x10360]  }
0xf9: {  	v7 =	vld [tilespmem:s17+$0x10370]  }
0xfa: {  	v14 =	vld [tilespmem:s17+$0xC300]  }
0xfb: {  	v20 =	vld [tilespmem:s17+$0xC310]  }
.Ltmp3:
0xfc: {  	v17 =	vld [tilespmem:s17+$0xC320];
	(pc) =	sbr.rel @p1 .LBB2_9-.Ltmp3, $4  }
0xfd: {  	v16 =	vld [tilespmem:s17+$0xC330]  }
0xfe: {  	v15 =	vld [tilespmem:s17+$0xC340]  }
0xff: {  	v19 =	vadd.f32 v13, v14;
	v14 =	vld [tilespmem:s17+$0xC350]  }
0x100: {  	s2 =	sadd.s32 $0x200, s2;
	v18 =	vadd.f32 v18, v20;
	v13 =	vld [tilespmem:s17+$0xC360]  }
0x101: {  	v5 =	vadd.f32 v5, v19;
	v12 =	vadd.f32 v12, v17;
	v57 =	vld [tilespmem:s17+$0xC370]  }
0x102: {  	v58 =	vld [tilespmem:s17+$0x14360];
	v6 =	vadd.f32 v6, v18;
	v11 =	vadd.f32 v11, v16  }
0x103: {  	v59 =	vld [tilespmem:s17+$0x14370];
	v5 =	vmax.f32 v5, $0.0e+00;
	v4 =	vadd.f32 v4, v12;
	v10 =	vadd.f32 v10, v15  }
0x104: {  	[tilespmem:s17+$0xC300] =	vst v5;
	v60 =	vmax.f32 v6, $0.0e+00;
	v3 =	vadd.f32 v3, v11;
	v61 =	vadd.f32 v9, v14  }
0x105: {  	[tilespmem:s17+$0xC310] =	vst v60;
	v4 =	vmax.f32 v4, $0.0e+00;
	v2 =	vadd.f32 v2, v10;
	v62 =	vadd.f32 v8, v13  }
0x106: {  	s18 =	sadd.s32 $0x1, s18;
	[tilespmem:s17+$0xC320] =	vst v4;
	v3 =	vmax.f32 v3, $0.0e+00;
	v1 =	vadd.f32 v1, v61;
	v63 =	vadd.f32 v7, v57  }
0x107: {  	p1 =	sne.s32 s18, $0x28;
	[tilespmem:s17+$0xC330] =	vst v3;
	v2 =	vmax.f32 v2, $0.0e+00;
	v3 =	vadd.f32 v58, v62  }
.Ltmp4:
0x108: {  	[tilespmem:s17+$0xC340] =	vst v2;
	v1 =	vmax.f32 v1, $0.0e+00;
	v2 =	vadd.f32 v59, v63;
	(pc) =	sbr.rel @p1 .LBB2_6-.Ltmp4, $4  }
0x109: {  	[tilespmem:s17+$0xC350] =	vst v1;
	v1 =	vmax.f32 v3, $0.0e+00  }
0x10a: {  	[tilespmem:s17+$0xC360] =	vst v1;
	v1 =	vmax.f32 v2, $0.0e+00  }
0x10b: {  	[tilespmem:s17+$0xC370] =	vst v1  }
0x10c: {  	[spmem:s1] =	stream.indirect.scatter.add.f32 [tilespmem:s30], [sflag:$0xC], $0x80, s14, s21, $0xb8;
	[tilespmem:$0x1BA40] =	vst v63  }
0x10d: {  	s2 =	simm.s32 $0xB  }
0x10e: {  	_ =	swait.ge [sflag:s2], $0x4000  }
0x10f: {  	[sflag:s2] =	ssyncset.done $0x0  }
0x110: {  	s18 =	simm.s32 $0xC;
	[sflag:s2] =	ssyncadd.s32 $0xFFFFC000  }
0x111: {  	_ =	swait.ge [sflag:s18], $0x4000  }
0x112: {  	[sflag:s18] =	ssyncset.done $0x0  }
0x113: {  	[sflag:s18] =	ssyncadd.s32 $0xFFFFC000  }
0x114: {  	[bflag:$0x0] =	sbarrier.arrive $0xFFFF  }
0x115: {  	s17 =	simm.s32 @!p0 $0x1C0D;
	s2 =	sshrl.u32 @!p0 s1, $0x3;
	s18 =	rddreg [dreg:$0x8]  }
0x116: {  	[hbm:s18], [sflag:s17] =	dma.local @!p0 [spmem:s2], $0x680  }
0x117: {  	s2 =	simm.s32 @!p0 $0xD  }
0x118: {  	_ =	swait.ge @!p0 [sflag:s2], $0x680  }
0x119: {  	s20 =	rddreg [dreg:$0xa]  }
0x11a: {  	s31 =	rddreg [dreg:$0x9];
	s18 =	sadd.s32 $0x1, s20  }
0x11b: {  	p1 =	sne.s32 s18, s31  }
.Ltmp5:
0x11c: {  	_ = 	snop;
	(pc) =	sbr.rel @p1 .LBB2_1-.Ltmp5, $3  }
0x11d: {  	_ =	sdelay $0x1  }
0x11e: {  	[sflag:s2] =	ssyncset.done @!p0 $0x0  }
0x11f: {  	[sflag:s2] =	ssyncadd.s32 @!p0 $0xFFFFF980  }
0x120: {  	_ =	sfence.sel $0x180000  }
0x121: {  	[bflag:$0x0] =	sbarrier.arrive $0xFFFF  }
0x122: {  	_ =	strace $0x90000047  }
0x123: {  	[bflag:$0x2] =	sbarrier.arrive $0xFFFF  }
0x124: {  	s0 =	rddreg [dreg:$0x2]  }
0x125: {  	s0 =	sadd.s32 @!p0 $0x100000, s0  }
0x126: {  	[sflag:s0] =	ssyncadd.tile.s32 @!p0 $0x1;
	_ =	shalt  }
.Lfunc_end2:
_tile_overlayer_lowered:
.L_overlay_start_2:
0x127: {  	(tag) =	ssettag $0x2  }
0x128: {  	s0 =	rddreg [dreg:$0x0];
	s2 =	stileid.u32  }
0x129: {  	s1 =	rddreg [dreg:$0x1];
	p0 =	sne.s32 s2, $0x0  }
0x12a: {  	s3 =	rddreg [dreg:$0x2];
	[bflag:$0x3] =	sbarrier.arrive $0xFFFF;
	s2 =	simm.s32 @!p0 $0x1C0D  }
0x12b: {  	[timem:s3], [sflag:s2] =	dma.local @!p0 [hbm:s0], s1  }
0x12c: {  	s0 =	simm.s32 @!p0 $0xD  }
0x12d: {  	_ =	swait.ge @!p0 [sflag:s0], s1  }
0x12e: {  	s1 =	ssub.s32 @!p0 $0x0, s1;
	[sflag:s0] =	ssyncset.done @!p0 $0x0  }
0x12f: {  	[sflag:s0] =	ssyncadd.s32 @!p0 s1  }
0x130: {  	[bflag:$0x3] =	sbarrier.arrive $0xFFFF  }
0x131: {  	_ =	shalt  }

</sc_bundles>
